<compile_context>
chip_gen: v7x
topology: tpu7x:2x2x1
jax: 0.10.2.dev20260603
libtpu: 0.0.44.dev20260713+nightly
codegen_flags: <defaults>
</compile_context>

<pallas_src>
import functools

import jax
import jax.numpy as jnp
from jax import lax
from jax.experimental import pallas as pl
from jax.experimental.pallas import tpu as pltpu
from jax.experimental.pallas import tpu_sc as plsc

_LANES = 16
_ROW = 128
_C = 256
_ISUB = 128
_NSUB = _C // _ISUB


def _make_kernel(L, B, E):
    N = L * B
    n_chunks = N // _C
    info = plsc.get_sparse_core_info()
    NC, NS = info.num_cores, info.num_subcores
    NW = NC * NS
    tpw = n_chunks // NW
    chunks_per_l = B // _C
    assert B % _C == 0 and N % (_C * NW) == 0 and tpw % 2 == 0
    assert E % _LANES == 0 and E <= _ROW
    scale = float(E) ** 0.5

    mesh = plsc.VectorSubcoreMesh(core_axis_name="c", subcore_axis_name="s")

    @functools.partial(
        pl.kernel,
        mesh=mesh,
        out_type=jax.ShapeDtypeStruct((N, E), jnp.float32),
        scratch_types=[
            pltpu.VMEM((_NSUB, _ISUB), jnp.int32),
            pltpu.VMEM((_NSUB, _ISUB), jnp.int32),
            pltpu.VMEM((_C, _ROW), jnp.float32),
            pltpu.VMEM((_C, _ROW), jnp.float32),
            pltpu.VMEM((_C, E), jnp.float32),
            pltpu.VMEM((1, E), jnp.float32),
            pltpu.SemaphoreType.DMA,
            pltpu.SemaphoreType.DMA,
        ],
    )
    def emb_kernel(inputs_hbm, tok_hbm, pos_hbm, out_hbm,
                   idx0, idx1, rows0, rows1, out_v, pos_v, sem0, sem1):
        wid = lax.axis_index("s") * NC + lax.axis_index("c")
        t0 = wid * tpw

        def g_start(t, idx_v, rows_v, sem):
            pltpu.sync_copy(inputs_hbm.at[pl.ds(t * _NSUB, _NSUB)], idx_v)
            for j in range(_NSUB):
                pltpu.async_copy(
                    tok_hbm.at[idx_v.at[j]],
                    rows_v.at[pl.ds(j * _ISUB, _ISUB)],
                    sem,
                )

        def process(t, idx_v, rows_v, sem):
            l = t // chunks_per_l
            pltpu.sync_copy(pos_hbm.at[pl.ds(l, 1)], pos_v)
            pvs = [pos_v[0, pl.ds(j * _LANES, _LANES)]
                   for j in range(E // _LANES)]
            for j in range(_NSUB):
                pltpu.make_async_copy(
                    tok_hbm.at[idx_v.at[j]],
                    rows_v.at[pl.ds(j * _ISUB, _ISUB)],
                    sem,
                ).wait()

            @plsc.parallel_loop(0, _C, unroll=8)
            def _rows(r):
                for j in range(E // _LANES):
                    sl = pl.ds(j * _LANES, _LANES)
                    out_v[r, sl] = rows_v[r, sl] * scale + pvs[j]

            pltpu.sync_copy(out_v, out_hbm.at[pl.ds(t * _C, _C)])

        g_start(t0, idx0, rows0, sem0)

        def pair_body(i2, _):
            t = t0 + i2 * 2
            g_start(t + 1, idx1, rows1, sem1)
            process(t, idx0, rows0, sem0)

            @pl.when(i2 * 2 + 2 < tpw)
            def _prefetch():
                g_start(t + 2, idx0, rows0, sem0)

            process(t + 1, idx1, rows1, sem1)
            return _

        lax.fori_loop(0, tpw // 2, pair_body, 0)

    return emb_kernel


def kernel(inputs, tok_table, pos_table):
    L, B = inputs.shape
    V, E = tok_table.shape
    emb = _make_kernel(L, B, E)
    tok_pad = jnp.pad(tok_table, ((0, 0), (0, _ROW - E)))
    inputs2 = inputs.reshape(L * B // _ISUB, _ISUB)
    out = emb(inputs2, tok_pad, pos_table)
    return out.reshape(L, B, E)

# --- scband reference (transcript-rebuilt; emitter-appended) ---
"""Pipeline reference for scband-position-wise-embedding-13984413516020 (READ-ONLY COPY).

The authoritative reference and input builder live on the scoring server;
editing this copy changes nothing except your own understanding.
"""

import jax, jax.numpy as jnp
import numpy as np

VOCAB_SIZE = 1000000
EMB_SZ = 64
MAX_LEN = 15000
SEQ_LEN = 200
BATCH = 4096


def setup_inputs(seed: int = 0) -> dict:
    key = jax.random.key(seed)
    k1, k2, k3 = jax.random.split(key, 3)
    inputs = jax.random.randint(k1, (SEQ_LEN, BATCH), 0, VOCAB_SIZE, dtype=jnp.int64 if jax.config.jax_enable_x64 else jnp.int32)
    tok_table = jax.random.normal(k2, (VOCAB_SIZE, EMB_SZ), dtype=jnp.float32)
    pos_table = jax.random.normal(k3, (MAX_LEN, EMB_SZ), dtype=jnp.float32)
    return {"inputs": inputs, "tok_table": tok_table, "pos_table": pos_table}


def reference(inputs, tok_table, pos_table):
    # Faithful translation of PositionWiseEmbedding.forward (eval mode: dropout = identity).
    seq_len, batch = inputs.shape
    # pos = arange(L).unsqueeze(0).repeat(B,1).transpose(0,1) -> shape [L, B], pos[l, b] = l
    pos = jnp.broadcast_to(jnp.arange(seq_len)[:, None], (seq_len, batch))
    scale = jnp.sqrt(jnp.float32(EMB_SZ))
    tok_emb = jnp.take(tok_table, inputs, axis=0)  # gather [L, B, E]
    pos_emb = jnp.take(pos_table, pos, axis=0)     # gather [L, B, E]
    embedded = tok_emb * scale + pos_emb
    return embedded

if __name__ == "__main__":
    import jax
    _d = setup_inputs()
    print(jax.jit(kernel)(*tuple(_d.values())))

</pallas_src>

<mosaic_0001>
#map = affine_map<(d0, d1) -> (0, 0)>
module attributes {stable_mosaic.version = 14 : i64} {
  func.func @emb_kernel(%arg0: i32, %arg1: i32, %arg2: memref<6400x128xi32, #tpu.memory_space<hbm>>, %arg3: memref<1000000x128xf32, #tpu.memory_space<hbm>>, %arg4: memref<15000x64xf32, #tpu.memory_space<hbm>>, %arg5: memref<819200x64xf32, #tpu.memory_space<hbm>>, %arg6: memref<2x128xi32, #tpu.memory_space<vmem>>, %arg7: memref<2x128xi32, #tpu.memory_space<vmem>>, %arg8: memref<256x128xf32, #tpu.memory_space<vmem>>, %arg9: memref<256x128xf32, #tpu.memory_space<vmem>>, %arg10: memref<256x64xf32, #tpu.memory_space<vmem>>, %arg11: memref<1x64xf32, #tpu.memory_space<vmem>>, %arg12: memref<!tpu.dma_semaphore, #tpu.memory_space<semaphore_mem>>, %arg13: memref<!tpu.dma_semaphore, #tpu.memory_space<semaphore_mem>>) attributes {dimension_semantics = [#tpu.dimension_semantics<core_parallel>, #tpu.dimension_semantics<subcore_parallel>], iteration_bounds = array<i64: 2, 16>, scalar_prefetch = 0 : i64, scratch_operands = 8 : i64, tpu.core_type = #tpu.core_type<sc_vector_subcore>, window_params = [{transform_indices = #map}, {transform_indices = #map}, {transform_indices = #map}, {transform_indices = #map}]} {
    %mul3A = arith.constant 2 : i32
    %mul3A_0 = arith.muli %arg1, %mul3A : i32
    %add3A = arith.addi %mul3A_0, %arg0 : i32
    %mul3A_1 = arith.constant 100 : i32
    %mul3A_2 = arith.muli %add3A, %mul3A_1 : i32
    %mul3A_3 = arith.constant 2 : i32
    %mul3A_4 = arith.muli %mul3A_2, %mul3A_3 : i32
    "tpu.region"() ({
      %run_scoped3A = tpu.sem_alloc : memref<!tpu.dma_semaphore, #tpu.memory_space<semaphore_mem>>
      %dma_start3A_29 = arith.constant 0 : i32
      %dma_start3A_30 = tpu.memref_slice %arg2[%mul3A_4, %dma_start3A_29] : memref<6400x128xi32, #tpu.memory_space<hbm>> -> memref<2x128xi32, #tpu.memory_space<hbm>>
      %dma_start3A_31 = arith.constant 0 : i32
      %dma_start3A_32 = tpu.memref_slice %arg2[%mul3A_4, %dma_start3A_31] : memref<6400x128xi32, #tpu.memory_space<hbm>> -> memref<2x128xi32, #tpu.memory_space<hbm>>
      tpu.enqueue_dma source(%dma_start3A_32 : memref<2x128xi32, #tpu.memory_space<hbm>>) target(%arg6 : memref<2x128xi32, #tpu.memory_space<vmem>>) target_semaphore(%run_scoped3A : memref<!tpu.dma_semaphore, #tpu.memory_space<semaphore_mem>>)
      %dma_wait3A = arith.constant 0 : i32
      %dma_wait3A_33 = tpu.memref_slice %arg2[%mul3A_4, %dma_wait3A] : memref<6400x128xi32, #tpu.memory_space<hbm>> -> memref<2x128xi32, #tpu.memory_space<hbm>>
      %dma_wait3A_34 = arith.constant 0 : i32
      %dma_wait3A_35 = tpu.memref_slice %arg2[%mul3A_4, %dma_wait3A_34] : memref<6400x128xi32, #tpu.memory_space<hbm>> -> memref<2x128xi32, #tpu.memory_space<hbm>>
      tpu.wait_dma2 semaphore(%run_scoped3A : memref<!tpu.dma_semaphore, #tpu.memory_space<semaphore_mem>>) src(%dma_wait3A_35 : memref<2x128xi32, #tpu.memory_space<hbm>>) dst(%arg6 : memref<2x128xi32, #tpu.memory_space<vmem>>)
      tpu.yield
    }) : () -> ()
    %dma_start3A = arith.constant 0 : i32
    %dma_start3A_5 = arith.constant 0 : i32
    %dma_start3A_6 = arith.constant 0 : i32
    %dma_start3A_7 = tpu.memref_slice %arg8[%dma_start3A_5, %dma_start3A_6] : memref<256x128xf32, #tpu.memory_space<vmem>> -> memref<128x128xf32, #tpu.memory_space<vmem>>
    %dma_start3A_8 = arith.constant 0 : i32
    %dma_start3A_9 = tpu.memref_slice %arg6[%dma_start3A, %dma_start3A_8] : memref<2x128xi32, #tpu.memory_space<vmem>> -> memref<1x128xi32, #tpu.memory_space<vmem>>
    %dma_start3A_10 = tpu.memref_squeeze %dma_start3A_9 : memref<1x128xi32, #tpu.memory_space<vmem>> -> memref<128xi32, #tpu.memory_space<vmem>>
    %dma_start3A_11 = arith.constant 0 : i32
    %dma_start3A_12 = arith.constant 0 : i32
    %dma_start3A_13 = tpu.memref_slice %arg3[%dma_start3A_11, %dma_start3A_12] : memref<1000000x128xf32, #tpu.memory_space<hbm>> -> memref<1000000x128xf32, #tpu.memory_space<hbm>>
    tpu.enqueue_indirect_dma source(%dma_start3A_13 : memref<1000000x128xf32, #tpu.memory_space<hbm>>) target(%dma_start3A_7 : memref<128x128xf32, #tpu.memory_space<vmem>>) offsets(%dma_start3A_10 : memref<128xi32, #tpu.memory_space<vmem>>) semaphore(%arg12 : memref<!tpu.dma_semaphore, #tpu.memory_space<semaphore_mem>>)
    %dma_start3A_14 = arith.constant 1 : i32
    %dma_start3A_15 = arith.constant 128 : i32
    %dma_start3A_16 = arith.constant 0 : i32
    %dma_start3A_17 = tpu.memref_slice %arg8[%dma_start3A_15, %dma_start3A_16] : memref<256x128xf32, #tpu.memory_space<vmem>> -> memref<128x128xf32, #tpu.memory_space<vmem>>
    %dma_start3A_18 = arith.constant 0 : i32
    %dma_start3A_19 = tpu.memref_slice %arg6[%dma_start3A_14, %dma_start3A_18] : memref<2x128xi32, #tpu.memory_space<vmem>> -> memref<1x128xi32, #tpu.memory_space<vmem>>
    %dma_start3A_20 = tpu.memref_squeeze %dma_start3A_19 : memref<1x128xi32, #tpu.memory_space<vmem>> -> memref<128xi32, #tpu.memory_space<vmem>>
    %dma_start3A_21 = arith.constant 0 : i32
    %dma_start3A_22 = arith.constant 0 : i32
    %dma_start3A_23 = tpu.memref_slice %arg3[%dma_start3A_21, %dma_start3A_22] : memref<1000000x128xf32, #tpu.memory_space<hbm>> -> memref<1000000x128xf32, #tpu.memory_space<hbm>>
    tpu.enqueue_indirect_dma source(%dma_start3A_23 : memref<1000000x128xf32, #tpu.memory_space<hbm>>) target(%dma_start3A_17 : memref<128x128xf32, #tpu.memory_space<vmem>>) offsets(%dma_start3A_20 : memref<128xi32, #tpu.memory_space<vmem>>) semaphore(%arg12 : memref<!tpu.dma_semaphore, #tpu.memory_space<semaphore_mem>>)
    %scan3A = arith.constant 0 : i32
    %scan3A_24 = arith.constant 0 : i32
    %scan3A_25 = arith.constant 50 : i32
    %scan3A_26 = arith.addi %scan3A_24, %scan3A_25 : i32
    %scan3A_27 = arith.constant 1 : i32
    scf.for %scan3A_29 = %scan3A_24 to %scan3A_26 step %scan3A_27  : i32 {
      %mul3A_30 = arith.constant 2 : i32
      %mul3A_31 = arith.muli %scan3A_29, %mul3A_30 : i32
      %add3A_32 = arith.addi %mul3A_2, %mul3A_31 : i32
      %add3A_33 = arith.constant 1 : i32
      %add3A_34 = arith.addi %add3A_32, %add3A_33 : i32
      %mul3A_35 = arith.constant 2 : i32
      %mul3A_36 = arith.muli %add3A_34, %mul3A_35 : i32
      "tpu.region"() ({
        %run_scoped3A = tpu.sem_alloc : memref<!tpu.dma_semaphore, #tpu.memory_space<semaphore_mem>>
        %dma_start3A_192 = arith.constant 0 : i32
        %dma_start3A_193 = tpu.memref_slice %arg2[%mul3A_36, %dma_start3A_192] : memref<6400x128xi32, #tpu.memory_space<hbm>> -> memref<2x128xi32, #tpu.memory_space<hbm>>
        %dma_start3A_194 = arith.constant 0 : i32
        %dma_start3A_195 = tpu.memref_slice %arg2[%mul3A_36, %dma_start3A_194] : memref<6400x128xi32, #tpu.memory_space<hbm>> -> memref<2x128xi32, #tpu.memory_space<hbm>>
        tpu.enqueue_dma source(%dma_start3A_195 : memref<2x128xi32, #tpu.memory_space<hbm>>) target(%arg7 : memref<2x128xi32, #tpu.memory_space<vmem>>) target_semaphore(%run_scoped3A : memref<!tpu.dma_semaphore, #tpu.memory_space<semaphore_mem>>)
        %dma_wait3A_196 = arith.constant 0 : i32
        %dma_wait3A_197 = tpu.memref_slice %arg2[%mul3A_36, %dma_wait3A_196] : memref<6400x128xi32, #tpu.memory_space<hbm>> -> memref<2x128xi32, #tpu.memory_space<hbm>>
        %dma_wait3A_198 = arith.constant 0 : i32
        %dma_wait3A_199 = tpu.memref_slice %arg2[%mul3A_36, %dma_wait3A_198] : memref<6400x128xi32, #tpu.memory_space<hbm>> -> memref<2x128xi32, #tpu.memory_space<hbm>>
        tpu.wait_dma2 semaphore(%run_scoped3A : memref<!tpu.dma_semaphore, #tpu.memory_space<semaphore_mem>>) src(%dma_wait3A_199 : memref<2x128xi32, #tpu.memory_space<hbm>>) dst(%arg7 : memref<2x128xi32, #tpu.memory_space<vmem>>)
        tpu.yield
      }) : () -> ()
      %dma_start3A_37 = arith.constant 0 : i32
      %dma_start3A_38 = arith.constant 0 : i32
      %dma_start3A_39 = arith.constant 0 : i32
      %dma_start3A_40 = tpu.memref_slice %arg9[%dma_start3A_38, %dma_start3A_39] : memref<256x128xf32, #tpu.memory_space<vmem>> -> memref<128x128xf32, #tpu.memory_space<vmem>>
      %dma_start3A_41 = arith.constant 0 : i32
      %dma_start3A_42 = tpu.memref_slice %arg7[%dma_start3A_37, %dma_start3A_41] : memref<2x128xi32, #tpu.memory_space<vmem>> -> memref<1x128xi32, #tpu.memory_space<vmem>>
      %dma_start3A_43 = tpu.memref_squeeze %dma_start3A_42 : memref<1x128xi32, #tpu.memory_space<vmem>> -> memref<128xi32, #tpu.memory_space<vmem>>
      %dma_start3A_44 = arith.constant 0 : i32
      %dma_start3A_45 = arith.constant 0 : i32
      %dma_start3A_46 = tpu.memref_slice %arg3[%dma_start3A_44, %dma_start3A_45] : memref<1000000x128xf32, #tpu.memory_space<hbm>> -> memref<1000000x128xf32, #tpu.memory_space<hbm>>
      tpu.enqueue_indirect_dma source(%dma_start3A_46 : memref<1000000x128xf32, #tpu.memory_space<hbm>>) target(%dma_start3A_40 : memref<128x128xf32, #tpu.memory_space<vmem>>) offsets(%dma_start3A_43 : memref<128xi32, #tpu.memory_space<vmem>>) semaphore(%arg13 : memref<!tpu.dma_semaphore, #tpu.memory_space<semaphore_mem>>)
      %dma_start3A_47 = arith.constant 1 : i32
      %dma_start3A_48 = arith.constant 128 : i32
      %dma_start3A_49 = arith.constant 0 : i32
      %dma_start3A_50 = tpu.memref_slice %arg9[%dma_start3A_48, %dma_start3A_49] : memref<256x128xf32, #tpu.memory_space<vmem>> -> memref<128x128xf32, #tpu.memory_space<vmem>>
      %dma_start3A_51 = arith.constant 0 : i32
      %dma_start3A_52 = tpu.memref_slice %arg7[%dma_start3A_47, %dma_start3A_51] : memref<2x128xi32, #tpu.memory_space<vmem>> -> memref<1x128xi32, #tpu.memory_space<vmem>>
      %dma_start3A_53 = tpu.memref_squeeze %dma_start3A_52 : memref<1x128xi32, #tpu.memory_space<vmem>> -> memref<128xi32, #tpu.memory_space<vmem>>
      %dma_start3A_54 = arith.constant 0 : i32
      %dma_start3A_55 = arith.constant 0 : i32
      %dma_start3A_56 = tpu.memref_slice %arg3[%dma_start3A_54, %dma_start3A_55] : memref<1000000x128xf32, #tpu.memory_space<hbm>> -> memref<1000000x128xf32, #tpu.memory_space<hbm>>
      tpu.enqueue_indirect_dma source(%dma_start3A_56 : memref<1000000x128xf32, #tpu.memory_space<hbm>>) target(%dma_start3A_50 : memref<128x128xf32, #tpu.memory_space<vmem>>) offsets(%dma_start3A_53 : memref<128xi32, #tpu.memory_space<vmem>>) semaphore(%arg13 : memref<!tpu.dma_semaphore, #tpu.memory_space<semaphore_mem>>)
      %jit3A = arith.constant 16 : i32
      %div3A = arith.divsi %add3A_32, %jit3A : i32
      %sign3A = arith.constant 0 : i32
      %sign3A_57 = arith.cmpi sgt, %add3A_32, %sign3A : i32
      %sign3A_58 = arith.extui %sign3A_57 : i1 to i32
      %sign3A_59 = arith.constant 0 : i32
      %sign3A_60 = arith.cmpi slt, %add3A_32, %sign3A_59 : i32
      %sign3A_61 = arith.extui %sign3A_60 : i1 to i32
      %sign3A_62 = arith.subi %sign3A_58, %sign3A_61 : i32
      %sign3A_63 = arith.constant 0 : i32
      %sign3A_64 = arith.cmpi sgt, %jit3A, %sign3A_63 : i32
      %sign3A_65 = arith.extui %sign3A_64 : i1 to i32
      %sign3A_66 = arith.constant 0 : i32
      %sign3A_67 = arith.cmpi slt, %jit3A, %sign3A_66 : i32
      %sign3A_68 = arith.extui %sign3A_67 : i1 to i32
      %sign3A_69 = arith.subi %sign3A_65, %sign3A_68 : i32
      %ne3A = arith.cmpi ne, %sign3A_62, %sign3A_69 : i32
      %rem3A = arith.remsi %add3A_32, %jit3A : i32
      %ne3A_70 = arith.constant 0 : i32
      %ne3A_71 = arith.cmpi ne, %rem3A, %ne3A_70 : i32
      %and3A = arith.andi %ne3A, %ne3A_71 : i1
      %sub3A = arith.constant 1 : i32
      %sub3A_72 = arith.subi %div3A, %sub3A : i32
      %select_n3A = arith.select %and3A, %sub3A_72, %div3A : i32
      "tpu.region"() ({
        %run_scoped3A = tpu.sem_alloc : memref<!tpu.dma_semaphore, #tpu.memory_space<semaphore_mem>>
        %dma_start3A_192 = arith.constant 0 : i32
        %dma_start3A_193 = tpu.memref_slice %arg4[%select_n3A, %dma_start3A_192] : memref<15000x64xf32, #tpu.memory_space<hbm>> -> memref<1x64xf32, #tpu.memory_space<hbm>>
        %dma_start3A_194 = arith.constant 0 : i32
        %dma_start3A_195 = tpu.memref_slice %arg4[%select_n3A, %dma_start3A_194] : memref<15000x64xf32, #tpu.memory_space<hbm>> -> memref<1x64xf32, #tpu.memory_space<hbm>>
        tpu.enqueue_dma source(%dma_start3A_195 : memref<1x64xf32, #tpu.memory_space<hbm>>) target(%arg11 : memref<1x64xf32, #tpu.memory_space<vmem>>) target_semaphore(%run_scoped3A : memref<!tpu.dma_semaphore, #tpu.memory_space<semaphore_mem>>)
        %dma_wait3A_196 = arith.constant 0 : i32
        %dma_wait3A_197 = tpu.memref_slice %arg4[%select_n3A, %dma_wait3A_196] : memref<15000x64xf32, #tpu.memory_space<hbm>> -> memref<1x64xf32, #tpu.memory_space<hbm>>
        %dma_wait3A_198 = arith.constant 0 : i32
        %dma_wait3A_199 = tpu.memref_slice %arg4[%select_n3A, %dma_wait3A_198] : memref<15000x64xf32, #tpu.memory_space<hbm>> -> memref<1x64xf32, #tpu.memory_space<hbm>>
        tpu.wait_dma2 semaphore(%run_scoped3A : memref<!tpu.dma_semaphore, #tpu.memory_space<semaphore_mem>>) src(%dma_wait3A_199 : memref<1x64xf32, #tpu.memory_space<hbm>>) dst(%arg11 : memref<1x64xf32, #tpu.memory_space<vmem>>)
        tpu.yield
      }) : () -> ()
      %get3A = arith.constant 0 : i32
      %get3A_73 = arith.index_cast %get3A : i32 to index
      %get3A_74 = arith.constant 0 : index
      %get3A_75 = tpu.vector_load %arg11[%get3A_73, %get3A_74] {strides = array<i32>} : memref<1x64xf32, #tpu.memory_space<vmem>>, vector<1x16xf32>,
      %get3A_76 = vector.shape_cast %get3A_75 : vector<1x16xf32> to vector<16xf32>
      %get3A_77 = arith.constant 0 : i32
      %get3A_78 = arith.index_cast %get3A_77 : i32 to index
      %get3A_79 = arith.constant 16 : index
      %get3A_80 = tpu.vector_load %arg11[%get3A_78, %get3A_79] {strides = array<i32>} : memref<1x64xf32, #tpu.memory_space<vmem>>, vector<1x16xf32>,
      %get3A_81 = vector.shape_cast %get3A_80 : vector<1x16xf32> to vector<16xf32>
      %get3A_82 = arith.constant 0 : i32
      %get3A_83 = arith.index_cast %get3A_82 : i32 to index
      %get3A_84 = arith.constant 32 : index
      %get3A_85 = tpu.vector_load %arg11[%get3A_83, %get3A_84] {strides = array<i32>} : memref<1x64xf32, #tpu.memory_space<vmem>>, vector<1x16xf32>,
      %get3A_86 = vector.shape_cast %get3A_85 : vector<1x16xf32> to vector<16xf32>
      %get3A_87 = arith.constant 0 : i32
      %get3A_88 = arith.index_cast %get3A_87 : i32 to index
      %get3A_89 = arith.constant 48 : index
      %get3A_90 = tpu.vector_load %arg11[%get3A_88, %get3A_89] {strides = array<i32>} : memref<1x64xf32, #tpu.memory_space<vmem>>, vector<1x16xf32>,
      %get3A_91 = vector.shape_cast %get3A_90 : vector<1x16xf32> to vector<16xf32>
      %dma_wait3A = arith.constant 0 : i32
      %dma_wait3A_92 = arith.constant 0 : i32
      %dma_wait3A_93 = arith.constant 0 : i32
      %dma_wait3A_94 = tpu.memref_slice %arg8[%dma_wait3A_92, %dma_wait3A_93] : memref<256x128xf32, #tpu.memory_space<vmem>> -> memref<128x128xf32, #tpu.memory_space<vmem>>
      %dma_wait3A_95 = arith.constant 0 : i32
      %dma_wait3A_96 = tpu.memref_slice %arg6[%dma_wait3A, %dma_wait3A_95] : memref<2x128xi32, #tpu.memory_space<vmem>> -> memref<1x128xi32, #tpu.memory_space<vmem>>
      %dma_wait3A_97 = tpu.memref_squeeze %dma_wait3A_96 : memref<1x128xi32, #tpu.memory_space<vmem>> -> memref<128xi32, #tpu.memory_space<vmem>>
      %dma_wait3A_98 = arith.constant 0 : i32
      %dma_wait3A_99 = arith.constant 0 : i32
      %dma_wait3A_100 = tpu.memref_slice %arg3[%dma_wait3A_98, %dma_wait3A_99] : memref<1000000x128xf32, #tpu.memory_space<hbm>> -> memref<1000000x128xf32, #tpu.memory_space<hbm>>
      tpu.wait_indirect_dma semaphore(%arg12 : memref<!tpu.dma_semaphore, #tpu.memory_space<semaphore_mem>>) src(%dma_wait3A_100 : memref<1000000x128xf32, #tpu.memory_space<hbm>>) dst(%dma_wait3A_94 : memref<128x128xf32, #tpu.memory_space<vmem>>)
      %dma_wait3A_101 = arith.constant 1 : i32
      %dma_wait3A_102 = arith.constant 128 : i32
      %dma_wait3A_103 = arith.constant 0 : i32
      %dma_wait3A_104 = tpu.memref_slice %arg8[%dma_wait3A_102, %dma_wait3A_103] : memref<256x128xf32, #tpu.memory_space<vmem>> -> memref<128x128xf32, #tpu.memory_space<vmem>>
      %dma_wait3A_105 = arith.constant 0 : i32
      %dma_wait3A_106 = tpu.memref_slice %arg6[%dma_wait3A_101, %dma_wait3A_105] : memref<2x128xi32, #tpu.memory_space<vmem>> -> memref<1x128xi32, #tpu.memory_space<vmem>>
      %dma_wait3A_107 = tpu.memref_squeeze %dma_wait3A_106 : memref<1x128xi32, #tpu.memory_space<vmem>> -> memref<128xi32, #tpu.memory_space<vmem>>
      %dma_wait3A_108 = arith.constant 0 : i32
      %dma_wait3A_109 = arith.constant 0 : i32
      %dma_wait3A_110 = tpu.memref_slice %arg3[%dma_wait3A_108, %dma_wait3A_109] : memref<1000000x128xf32, #tpu.memory_space<hbm>> -> memref<1000000x128xf32, #tpu.memory_space<hbm>>
      tpu.wait_indirect_dma semaphore(%arg12 : memref<!tpu.dma_semaphore, #tpu.memory_space<semaphore_mem>>) src(%dma_wait3A_110 : memref<1000000x128xf32, #tpu.memory_space<hbm>>) dst(%dma_wait3A_104 : memref<128x128xf32, #tpu.memory_space<vmem>>)
      %parallel_loop3A = arith.constant 0 : i32
      %parallel_loop3A_111 = arith.constant 256 : i32
      %parallel_loop3A_112 = arith.constant 1 : i32
      scf.for %parallel_loop3A_192 = %parallel_loop3A to %parallel_loop3A_111 step %parallel_loop3A_112  : i32 {
        %parallel_loop3A_193 = arith.index_cast %parallel_loop3A_192 : i32 to index
        %parallel_loop3A_194 = arith.constant 0 : index
        %parallel_loop3A_195 = tpu.vector_load %arg8[%parallel_loop3A_193, %parallel_loop3A_194] {strides = array<i32>} : memref<256x128xf32, #tpu.memory_space<vmem>>, vector<1x16xf32>,
        %parallel_loop3A_196 = vector.shape_cast %parallel_loop3A_195 : vector<1x16xf32> to vector<16xf32>
        %parallel_loop3A_197 = arith.constant 8.000000e+00 : f32
        %parallel_loop3A_198 = vector.broadcast %parallel_loop3A_197 : f32 to vector<16xf32>
        %parallel_loop3A_199 = arith.mulf %parallel_loop3A_196, %parallel_loop3A_198 : vector<16xf32>
        %parallel_loop3A_200 = arith.addf %parallel_loop3A_199, %get3A_76 : vector<16xf32>
        %parallel_loop3A_201 = arith.index_cast %parallel_loop3A_192 : i32 to index
        %parallel_loop3A_202 = arith.constant 0 : index
        %parallel_loop3A_203 = tpu.vector_load %arg10[%parallel_loop3A_201, %parallel_loop3A_202] {strides = array<i32>} : memref<256x64xf32, #tpu.memory_space<vmem>>, vector<1x16xf32>,
        %parallel_loop3A_204 = vector.shape_cast %parallel_loop3A_203 : vector<1x16xf32> to vector<16xf32>
        %parallel_loop3A_205 = vector.shape_cast %parallel_loop3A_200 : vector<16xf32> to vector<1x16xf32>
        tpu.vector_store %arg10[%parallel_loop3A_201, %parallel_loop3A_202], %parallel_loop3A_205 {strides = array<i32>} : memref<256x64xf32, #tpu.memory_space<vmem>>, vector<1x16xf32>,
        %parallel_loop3A_206 = arith.index_cast %parallel_loop3A_192 : i32 to index
        %parallel_loop3A_207 = arith.constant 16 : index
        %parallel_loop3A_208 = tpu.vector_load %arg8[%parallel_loop3A_206, %parallel_loop3A_207] {strides = array<i32>} : memref<256x128xf32, #tpu.memory_space<vmem>>, vector<1x16xf32>,
        %parallel_loop3A_209 = vector.shape_cast %parallel_loop3A_208 : vector<1x16xf32> to vector<16xf32>
        %parallel_loop3A_210 = arith.constant 8.000000e+00 : f32
        %parallel_loop3A_211 = vector.broadcast %parallel_loop3A_210 : f32 to vector<16xf32>
        %parallel_loop3A_212 = arith.mulf %parallel_loop3A_209, %parallel_loop3A_211 : vector<16xf32>
        %parallel_loop3A_213 = arith.addf %parallel_loop3A_212, %get3A_81 : vector<16xf32>
        %parallel_loop3A_214 = arith.index_cast %parallel_loop3A_192 : i32 to index
        %parallel_loop3A_215 = arith.constant 16 : index
        %parallel_loop3A_216 = tpu.vector_load %arg10[%parallel_loop3A_214, %parallel_loop3A_215] {strides = array<i32>} : memref<256x64xf32, #tpu.memory_space<vmem>>, vector<1x16xf32>,
        %parallel_loop3A_217 = vector.shape_cast %parallel_loop3A_216 : vector<1x16xf32> to vector<16xf32>
        %parallel_loop3A_218 = vector.shape_cast %parallel_loop3A_213 : vector<16xf32> to vector<1x16xf32>
        tpu.vector_store %arg10[%parallel_loop3A_214, %parallel_loop3A_215], %parallel_loop3A_218 {strides = array<i32>} : memref<256x64xf32, #tpu.memory_space<vmem>>, vector<1x16xf32>,
        %parallel_loop3A_219 = arith.index_cast %parallel_loop3A_192 : i32 to index
        %parallel_loop3A_220 = arith.constant 32 : index
        %parallel_loop3A_221 = tpu.vector_load %arg8[%parallel_loop3A_219, %parallel_loop3A_220] {strides = array<i32>} : memref<256x128xf32, #tpu.memory_space<vmem>>, vector<1x16xf32>,
        %parallel_loop3A_222 = vector.shape_cast %parallel_loop3A_221 : vector<1x16xf32> to vector<16xf32>
        %parallel_loop3A_223 = arith.constant 8.000000e+00 : f32
        %parallel_loop3A_224 = vector.broadcast %parallel_loop3A_223 : f32 to vector<16xf32>
        %parallel_loop3A_225 = arith.mulf %parallel_loop3A_222, %parallel_loop3A_224 : vector<16xf32>
        %parallel_loop3A_226 = arith.addf %parallel_loop3A_225, %get3A_86 : vector<16xf32>
        %parallel_loop3A_227 = arith.index_cast %parallel_loop3A_192 : i32 to index
        %parallel_loop3A_228 = arith.constant 32 : index
        %parallel_loop3A_229 = tpu.vector_load %arg10[%parallel_loop3A_227, %parallel_loop3A_228] {strides = array<i32>} : memref<256x64xf32, #tpu.memory_space<vmem>>, vector<1x16xf32>,
        %parallel_loop3A_230 = vector.shape_cast %parallel_loop3A_229 : vector<1x16xf32> to vector<16xf32>
        %parallel_loop3A_231 = vector.shape_cast %parallel_loop3A_226 : vector<16xf32> to vector<1x16xf32>
        tpu.vector_store %arg10[%parallel_loop3A_227, %parallel_loop3A_228], %parallel_loop3A_231 {strides = array<i32>} : memref<256x64xf32, #tpu.memory_space<vmem>>, vector<1x16xf32>,
        %parallel_loop3A_232 = arith.index_cast %parallel_loop3A_192 : i32 to index
        %parallel_loop3A_233 = arith.constant 48 : index
        %parallel_loop3A_234 = tpu.vector_load %arg8[%parallel_loop3A_232, %parallel_loop3A_233] {strides = array<i32>} : memref<256x128xf32, #tpu.memory_space<vmem>>, vector<1x16xf32>,
        %parallel_loop3A_235 = vector.shape_cast %parallel_loop3A_234 : vector<1x16xf32> to vector<16xf32>
        %parallel_loop3A_236 = arith.constant 8.000000e+00 : f32
        %parallel_loop3A_237 = vector.broadcast %parallel_loop3A_236 : f32 to vector<16xf32>
        %parallel_loop3A_238 = arith.mulf %parallel_loop3A_235, %parallel_loop3A_237 : vector<16xf32>
        %parallel_loop3A_239 = arith.addf %parallel_loop3A_238, %get3A_91 : vector<16xf32>
        %parallel_loop3A_240 = arith.index_cast %parallel_loop3A_192 : i32 to index
        %parallel_loop3A_241 = arith.constant 48 : index
        %parallel_loop3A_242 = tpu.vector_load %arg10[%parallel_loop3A_240, %parallel_loop3A_241] {strides = array<i32>} : memref<256x64xf32, #tpu.memory_space<vmem>>, vector<1x16xf32>,
        %parallel_loop3A_243 = vector.shape_cast %parallel_loop3A_242 : vector<1x16xf32> to vector<16xf32>
        %parallel_loop3A_244 = vector.shape_cast %parallel_loop3A_239 : vector<16xf32> to vector<1x16xf32>
        tpu.vector_store %arg10[%parallel_loop3A_240, %parallel_loop3A_241], %parallel_loop3A_244 {strides = array<i32>} : memref<256x64xf32, #tpu.memory_space<vmem>>, vector<1x16xf32>,
      } {sc.loop_unroll_factor = 8 : i64, sc.parallel_access}
      %mul3A_113 = arith.constant 256 : i32
      %mul3A_114 = arith.muli %add3A_32, %mul3A_113 : i32
      "tpu.region"() ({
        %run_scoped3A = tpu.sem_alloc : memref<!tpu.dma_semaphore, #tpu.memory_space<semaphore_mem>>
        %dma_start3A_192 = arith.constant 0 : i32
        %dma_start3A_193 = tpu.memref_slice %arg5[%mul3A_114, %dma_start3A_192] : memref<819200x64xf32, #tpu.memory_space<hbm>> -> memref<256x64xf32, #tpu.memory_space<hbm>>
        %dma_start3A_194 = arith.constant 0 : i32
        %dma_start3A_195 = tpu.memref_slice %arg5[%mul3A_114, %dma_start3A_194] : memref<819200x64xf32, #tpu.memory_space<hbm>> -> memref<256x64xf32, #tpu.memory_space<hbm>>
        tpu.enqueue_dma source(%arg10 : memref<256x64xf32, #tpu.memory_space<vmem>>) target(%dma_start3A_195 : memref<256x64xf32, #tpu.memory_space<hbm>>) target_semaphore(%run_scoped3A : memref<!tpu.dma_semaphore, #tpu.memory_space<semaphore_mem>>)
        %dma_wait3A_196 = arith.constant 0 : i32
        %dma_wait3A_197 = tpu.memref_slice %arg5[%mul3A_114, %dma_wait3A_196] : memref<819200x64xf32, #tpu.memory_space<hbm>> -> memref<256x64xf32, #tpu.memory_space<hbm>>
        %dma_wait3A_198 = arith.constant 0 : i32
        %dma_wait3A_199 = tpu.memref_slice %arg5[%mul3A_114, %dma_wait3A_198] : memref<819200x64xf32, #tpu.memory_space<hbm>> -> memref<256x64xf32, #tpu.memory_space<hbm>>
        tpu.wait_dma2 semaphore(%run_scoped3A : memref<!tpu.dma_semaphore, #tpu.memory_space<semaphore_mem>>) src(%arg10 : memref<256x64xf32, #tpu.memory_space<vmem>>) dst(%dma_wait3A_199 : memref<256x64xf32, #tpu.memory_space<hbm>>)
        tpu.yield
      }) : () -> ()
      %mul3A_115 = arith.constant 2 : i32
      %mul3A_116 = arith.muli %scan3A_29, %mul3A_115 : i32
      %add3A_117 = arith.constant 2 : i32
      %add3A_118 = arith.addi %mul3A_116, %add3A_117 : i32
      %lt3A = arith.constant 100 : i32
      %lt3A_119 = arith.cmpi slt, %add3A_118, %lt3A : i32
      %convert_element_type3A = arith.extui %lt3A_119 : i1 to i32
      %cond3A = arith.constant 0 : i32
      %cond3A_120 = arith.cmpi ne, %convert_element_type3A, %cond3A : i32
      scf.if %cond3A_120 {
        %add3A_192 = arith.constant 2 : i32
        %add3A_193 = arith.addi %add3A_32, %add3A_192 : i32
        %mul3A_194 = arith.constant 2 : i32
        %mul3A_195 = arith.muli %add3A_193, %mul3A_194 : i32
        "tpu.region"() ({
          %run_scoped3A = tpu.sem_alloc : memref<!tpu.dma_semaphore, #tpu.memory_space<semaphore_mem>>
          %dma_start3A_216 = arith.constant 0 : i32
          %dma_start3A_217 = tpu.memref_slice %arg2[%mul3A_195, %dma_start3A_216] : memref<6400x128xi32, #tpu.memory_space<hbm>> -> memref<2x128xi32, #tpu.memory_space<hbm>>
          %dma_start3A_218 = arith.constant 0 : i32
          %dma_start3A_219 = tpu.memref_slice %arg2[%mul3A_195, %dma_start3A_218] : memref<6400x128xi32, #tpu.memory_space<hbm>> -> memref<2x128xi32, #tpu.memory_space<hbm>>
          tpu.enqueue_dma source(%dma_start3A_219 : memref<2x128xi32, #tpu.memory_space<hbm>>) target(%arg6 : memref<2x128xi32, #tpu.memory_space<vmem>>) target_semaphore(%run_scoped3A : memref<!tpu.dma_semaphore, #tpu.memory_space<semaphore_mem>>)
          %dma_wait3A_220 = arith.constant 0 : i32
          %dma_wait3A_221 = tpu.memref_slice %arg2[%mul3A_195, %dma_wait3A_220] : memref<6400x128xi32, #tpu.memory_space<hbm>> -> memref<2x128xi32, #tpu.memory_space<hbm>>
          %dma_wait3A_222 = arith.constant 0 : i32
          %dma_wait3A_223 = tpu.memref_slice %arg2[%mul3A_195, %dma_wait3A_222] : memref<6400x128xi32, #tpu.memory_space<hbm>> -> memref<2x128xi32, #tpu.memory_space<hbm>>
          tpu.wait_dma2 semaphore(%run_scoped3A : memref<!tpu.dma_semaphore, #tpu.memory_space<semaphore_mem>>) src(%dma_wait3A_223 : memref<2x128xi32, #tpu.memory_space<hbm>>) dst(%arg6 : memref<2x128xi32, #tpu.memory_space<vmem>>)
          tpu.yield
        }) : () -> ()
        %dma_start3A_196 = arith.constant 0 : i32
        %dma_start3A_197 = arith.constant 0 : i32
        %dma_start3A_198 = arith.constant 0 : i32
        %dma_start3A_199 = tpu.memref_slice %arg8[%dma_start3A_197, %dma_start3A_198] : memref<256x128xf32, #tpu.memory_space<vmem>> -> memref<128x128xf32, #tpu.memory_space<vmem>>
        %dma_start3A_200 = arith.constant 0 : i32
        %dma_start3A_201 = tpu.memref_slice %arg6[%dma_start3A_196, %dma_start3A_200] : memref<2x128xi32, #tpu.memory_space<vmem>> -> memref<1x128xi32, #tpu.memory_space<vmem>>
        %dma_start3A_202 = tpu.memref_squeeze %dma_start3A_201 : memref<1x128xi32, #tpu.memory_space<vmem>> -> memref<128xi32, #tpu.memory_space<vmem>>
        %dma_start3A_203 = arith.constant 0 : i32
        %dma_start3A_204 = arith.constant 0 : i32
        %dma_start3A_205 = tpu.memref_slice %arg3[%dma_start3A_203, %dma_start3A_204] : memref<1000000x128xf32, #tpu.memory_space<hbm>> -> memref<1000000x128xf32, #tpu.memory_space<hbm>>
        tpu.enqueue_indirect_dma source(%dma_start3A_205 : memref<1000000x128xf32, #tpu.memory_space<hbm>>) target(%dma_start3A_199 : memref<128x128xf32, #tpu.memory_space<vmem>>) offsets(%dma_start3A_202 : memref<128xi32, #tpu.memory_space<vmem>>) semaphore(%arg12 : memref<!tpu.dma_semaphore, #tpu.memory_space<semaphore_mem>>)
        %dma_start3A_206 = arith.constant 1 : i32
        %dma_start3A_207 = arith.constant 128 : i32
        %dma_start3A_208 = arith.constant 0 : i32
        %dma_start3A_209 = tpu.memref_slice %arg8[%dma_start3A_207, %dma_start3A_208] : memref<256x128xf32, #tpu.memory_space<vmem>> -> memref<128x128xf32, #tpu.memory_space<vmem>>
        %dma_start3A_210 = arith.constant 0 : i32
        %dma_start3A_211 = tpu.memref_slice %arg6[%dma_start3A_206, %dma_start3A_210] : memref<2x128xi32, #tpu.memory_space<vmem>> -> memref<1x128xi32, #tpu.memory_space<vmem>>
        %dma_start3A_212 = tpu.memref_squeeze %dma_start3A_211 : memref<1x128xi32, #tpu.memory_space<vmem>> -> memref<128xi32, #tpu.memory_space<vmem>>
        %dma_start3A_213 = arith.constant 0 : i32
        %dma_start3A_214 = arith.constant 0 : i32
        %dma_start3A_215 = tpu.memref_slice %arg3[%dma_start3A_213, %dma_start3A_214] : memref<1000000x128xf32, #tpu.memory_space<hbm>> -> memref<1000000x128xf32, #tpu.memory_space<hbm>>
        tpu.enqueue_indirect_dma source(%dma_start3A_215 : memref<1000000x128xf32, #tpu.memory_space<hbm>>) target(%dma_start3A_209 : memref<128x128xf32, #tpu.memory_space<vmem>>) offsets(%dma_start3A_212 : memref<128xi32, #tpu.memory_space<vmem>>) semaphore(%arg12 : memref<!tpu.dma_semaphore, #tpu.memory_space<semaphore_mem>>)
      } else {
      }
      %add3A_121 = arith.constant 1 : i32
      %add3A_122 = arith.addi %add3A_32, %add3A_121 : i32
      %jit3A_123 = arith.constant 16 : i32
      %div3A_124 = arith.divsi %add3A_122, %jit3A_123 : i32
      %sign3A_125 = arith.constant 0 : i32
      %sign3A_126 = arith.cmpi sgt, %add3A_122, %sign3A_125 : i32
      %sign3A_127 = arith.extui %sign3A_126 : i1 to i32
      %sign3A_128 = arith.constant 0 : i32
      %sign3A_129 = arith.cmpi slt, %add3A_122, %sign3A_128 : i32
      %sign3A_130 = arith.extui %sign3A_129 : i1 to i32
      %sign3A_131 = arith.subi %sign3A_127, %sign3A_130 : i32
      %sign3A_132 = arith.constant 0 : i32
      %sign3A_133 = arith.cmpi sgt, %jit3A_123, %sign3A_132 : i32
      %sign3A_134 = arith.extui %sign3A_133 : i1 to i32
      %sign3A_135 = arith.constant 0 : i32
      %sign3A_136 = arith.cmpi slt, %jit3A_123, %sign3A_135 : i32
      %sign3A_137 = arith.extui %sign3A_136 : i1 to i32
      %sign3A_138 = arith.subi %sign3A_134, %sign3A_137 : i32
      %ne3A_139 = arith.cmpi ne, %sign3A_131, %sign3A_138 : i32
      %rem3A_140 = arith.remsi %add3A_122, %jit3A_123 : i32
      %ne3A_141 = arith.constant 0 : i32
      %ne3A_142 = arith.cmpi ne, %rem3A_140, %ne3A_141 : i32
      %and3A_143 = arith.andi %ne3A_139, %ne3A_142 : i1
      %sub3A_144 = arith.constant 1 : i32
      %sub3A_145 = arith.subi %div3A_124, %sub3A_144 : i32
      %select_n3A_146 = arith.select %and3A_143, %sub3A_145, %div3A_124 : i32
      "tpu.region"() ({
        %run_scoped3A = tpu.sem_alloc : memref<!tpu.dma_semaphore, #tpu.memory_space<semaphore_mem>>
        %dma_start3A_192 = arith.constant 0 : i32
        %dma_start3A_193 = tpu.memref_slice %arg4[%select_n3A_146, %dma_start3A_192] : memref<15000x64xf32, #tpu.memory_space<hbm>> -> memref<1x64xf32, #tpu.memory_space<hbm>>
        %dma_start3A_194 = arith.constant 0 : i32
        %dma_start3A_195 = tpu.memref_slice %arg4[%select_n3A_146, %dma_start3A_194] : memref<15000x64xf32, #tpu.memory_space<hbm>> -> memref<1x64xf32, #tpu.memory_space<hbm>>
        tpu.enqueue_dma source(%dma_start3A_195 : memref<1x64xf32, #tpu.memory_space<hbm>>) target(%arg11 : memref<1x64xf32, #tpu.memory_space<vmem>>) target_semaphore(%run_scoped3A : memref<!tpu.dma_semaphore, #tpu.memory_space<semaphore_mem>>)
        %dma_wait3A_196 = arith.constant 0 : i32
        %dma_wait3A_197 = tpu.memref_slice %arg4[%select_n3A_146, %dma_wait3A_196] : memref<15000x64xf32, #tpu.memory_space<hbm>> -> memref<1x64xf32, #tpu.memory_space<hbm>>
        %dma_wait3A_198 = arith.constant 0 : i32
        %dma_wait3A_199 = tpu.memref_slice %arg4[%select_n3A_146, %dma_wait3A_198] : memref<15000x64xf32, #tpu.memory_space<hbm>> -> memref<1x64xf32, #tpu.memory_space<hbm>>
        tpu.wait_dma2 semaphore(%run_scoped3A : memref<!tpu.dma_semaphore, #tpu.memory_space<semaphore_mem>>) src(%dma_wait3A_199 : memref<1x64xf32, #tpu.memory_space<hbm>>) dst(%arg11 : memref<1x64xf32, #tpu.memory_space<vmem>>)
        tpu.yield
      }) : () -> ()
      %get3A_147 = arith.constant 0 : i32
      %get3A_148 = arith.index_cast %get3A_147 : i32 to index
      %get3A_149 = arith.constant 0 : index
      %get3A_150 = tpu.vector_load %arg11[%get3A_148, %get3A_149] {strides = array<i32>} : memref<1x64xf32, #tpu.memory_space<vmem>>, vector<1x16xf32>,
      %get3A_151 = vector.shape_cast %get3A_150 : vector<1x16xf32> to vector<16xf32>
      %get3A_152 = arith.constant 0 : i32
      %get3A_153 = arith.index_cast %get3A_152 : i32 to index
      %get3A_154 = arith.constant 16 : index
      %get3A_155 = tpu.vector_load %arg11[%get3A_153, %get3A_154] {strides = array<i32>} : memref<1x64xf32, #tpu.memory_space<vmem>>, vector<1x16xf32>,
      %get3A_156 = vector.shape_cast %get3A_155 : vector<1x16xf32> to vector<16xf32>
      %get3A_157 = arith.constant 0 : i32
      %get3A_158 = arith.index_cast %get3A_157 : i32 to index
      %get3A_159 = arith.constant 32 : index
      %get3A_160 = tpu.vector_load %arg11[%get3A_158, %get3A_159] {strides = array<i32>} : memref<1x64xf32, #tpu.memory_space<vmem>>, vector<1x16xf32>,
      %get3A_161 = vector.shape_cast %get3A_160 : vector<1x16xf32> to vector<16xf32>
      %get3A_162 = arith.constant 0 : i32
      %get3A_163 = arith.index_cast %get3A_162 : i32 to index
      %get3A_164 = arith.constant 48 : index
      %get3A_165 = tpu.vector_load %arg11[%get3A_163, %get3A_164] {strides = array<i32>} : memref<1x64xf32, #tpu.memory_space<vmem>>, vector<1x16xf32>,
      %get3A_166 = vector.shape_cast %get3A_165 : vector<1x16xf32> to vector<16xf32>
      %dma_wait3A_167 = arith.constant 0 : i32
      %dma_wait3A_168 = arith.constant 0 : i32
      %dma_wait3A_169 = arith.constant 0 : i32
      %dma_wait3A_170 = tpu.memref_slice %arg9[%dma_wait3A_168, %dma_wait3A_169] : memref<256x128xf32, #tpu.memory_space<vmem>> -> memref<128x128xf32, #tpu.memory_space<vmem>>
      %dma_wait3A_171 = arith.constant 0 : i32
      %dma_wait3A_172 = tpu.memref_slice %arg7[%dma_wait3A_167, %dma_wait3A_171] : memref<2x128xi32, #tpu.memory_space<vmem>> -> memref<1x128xi32, #tpu.memory_space<vmem>>
      %dma_wait3A_173 = tpu.memref_squeeze %dma_wait3A_172 : memref<1x128xi32, #tpu.memory_space<vmem>> -> memref<128xi32, #tpu.memory_space<vmem>>
      %dma_wait3A_174 = arith.constant 0 : i32
      %dma_wait3A_175 = arith.constant 0 : i32
      %dma_wait3A_176 = tpu.memref_slice %arg3[%dma_wait3A_174, %dma_wait3A_175] : memref<1000000x128xf32, #tpu.memory_space<hbm>> -> memref<1000000x128xf32, #tpu.memory_space<hbm>>
      tpu.wait_indirect_dma semaphore(%arg13 : memref<!tpu.dma_semaphore, #tpu.memory_space<semaphore_mem>>) src(%dma_wait3A_176 : memref<1000000x128xf32, #tpu.memory_space<hbm>>) dst(%dma_wait3A_170 : memref<128x128xf32, #tpu.memory_space<vmem>>)
      %dma_wait3A_177 = arith.constant 1 : i32
      %dma_wait3A_178 = arith.constant 128 : i32
      %dma_wait3A_179 = arith.constant 0 : i32
      %dma_wait3A_180 = tpu.memref_slice %arg9[%dma_wait3A_178, %dma_wait3A_179] : memref<256x128xf32, #tpu.memory_space<vmem>> -> memref<128x128xf32, #tpu.memory_space<vmem>>
      %dma_wait3A_181 = arith.constant 0 : i32
      %dma_wait3A_182 = tpu.memref_slice %arg7[%dma_wait3A_177, %dma_wait3A_181] : memref<2x128xi32, #tpu.memory_space<vmem>> -> memref<1x128xi32, #tpu.memory_space<vmem>>
      %dma_wait3A_183 = tpu.memref_squeeze %dma_wait3A_182 : memref<1x128xi32, #tpu.memory_space<vmem>> -> memref<128xi32, #tpu.memory_space<vmem>>
      %dma_wait3A_184 = arith.constant 0 : i32
      %dma_wait3A_185 = arith.constant 0 : i32
      %dma_wait3A_186 = tpu.memref_slice %arg3[%dma_wait3A_184, %dma_wait3A_185] : memref<1000000x128xf32, #tpu.memory_space<hbm>> -> memref<1000000x128xf32, #tpu.memory_space<hbm>>
      tpu.wait_indirect_dma semaphore(%arg13 : memref<!tpu.dma_semaphore, #tpu.memory_space<semaphore_mem>>) src(%dma_wait3A_186 : memref<1000000x128xf32, #tpu.memory_space<hbm>>) dst(%dma_wait3A_180 : memref<128x128xf32, #tpu.memory_space<vmem>>)
      %parallel_loop3A_187 = arith.constant 0 : i32
      %parallel_loop3A_188 = arith.constant 256 : i32
      %parallel_loop3A_189 = arith.constant 1 : i32
      scf.for %parallel_loop3A_192 = %parallel_loop3A_187 to %parallel_loop3A_188 step %parallel_loop3A_189  : i32 {
        %parallel_loop3A_193 = arith.index_cast %parallel_loop3A_192 : i32 to index
        %parallel_loop3A_194 = arith.constant 0 : index
        %parallel_loop3A_195 = tpu.vector_load %arg9[%parallel_loop3A_193, %parallel_loop3A_194] {strides = array<i32>} : memref<256x128xf32, #tpu.memory_space<vmem>>, vector<1x16xf32>,
        %parallel_loop3A_196 = vector.shape_cast %parallel_loop3A_195 : vector<1x16xf32> to vector<16xf32>
        %parallel_loop3A_197 = arith.constant 8.000000e+00 : f32
        %parallel_loop3A_198 = vector.broadcast %parallel_loop3A_197 : f32 to vector<16xf32>
        %parallel_loop3A_199 = arith.mulf %parallel_loop3A_196, %parallel_loop3A_198 : vector<16xf32>
        %parallel_loop3A_200 = arith.addf %parallel_loop3A_199, %get3A_151 : vector<16xf32>
        %parallel_loop3A_201 = arith.index_cast %parallel_loop3A_192 : i32 to index
        %parallel_loop3A_202 = arith.constant 0 : index
        %parallel_loop3A_203 = tpu.vector_load %arg10[%parallel_loop3A_201, %parallel_loop3A_202] {strides = array<i32>} : memref<256x64xf32, #tpu.memory_space<vmem>>, vector<1x16xf32>,
        %parallel_loop3A_204 = vector.shape_cast %parallel_loop3A_203 : vector<1x16xf32> to vector<16xf32>
        %parallel_loop3A_205 = vector.shape_cast %parallel_loop3A_200 : vector<16xf32> to vector<1x16xf32>
        tpu.vector_store %arg10[%parallel_loop3A_201, %parallel_loop3A_202], %parallel_loop3A_205 {strides = array<i32>} : memref<256x64xf32, #tpu.memory_space<vmem>>, vector<1x16xf32>,
        %parallel_loop3A_206 = arith.index_cast %parallel_loop3A_192 : i32 to index
        %parallel_loop3A_207 = arith.constant 16 : index
        %parallel_loop3A_208 = tpu.vector_load %arg9[%parallel_loop3A_206, %parallel_loop3A_207] {strides = array<i32>} : memref<256x128xf32, #tpu.memory_space<vmem>>, vector<1x16xf32>,
        %parallel_loop3A_209 = vector.shape_cast %parallel_loop3A_208 : vector<1x16xf32> to vector<16xf32>
        %parallel_loop3A_210 = arith.constant 8.000000e+00 : f32
        %parallel_loop3A_211 = vector.broadcast %parallel_loop3A_210 : f32 to vector<16xf32>
        %parallel_loop3A_212 = arith.mulf %parallel_loop3A_209, %parallel_loop3A_211 : vector<16xf32>
        %parallel_loop3A_213 = arith.addf %parallel_loop3A_212, %get3A_156 : vector<16xf32>
        %parallel_loop3A_214 = arith.index_cast %parallel_loop3A_192 : i32 to index
        %parallel_loop3A_215 = arith.constant 16 : index
        %parallel_loop3A_216 = tpu.vector_load %arg10[%parallel_loop3A_214, %parallel_loop3A_215] {strides = array<i32>} : memref<256x64xf32, #tpu.memory_space<vmem>>, vector<1x16xf32>,
        %parallel_loop3A_217 = vector.shape_cast %parallel_loop3A_216 : vector<1x16xf32> to vector<16xf32>
        %parallel_loop3A_218 = vector.shape_cast %parallel_loop3A_213 : vector<16xf32> to vector<1x16xf32>
        tpu.vector_store %arg10[%parallel_loop3A_214, %parallel_loop3A_215], %parallel_loop3A_218 {strides = array<i32>} : memref<256x64xf32, #tpu.memory_space<vmem>>, vector<1x16xf32>,
        %parallel_loop3A_219 = arith.index_cast %parallel_loop3A_192 : i32 to index
        %parallel_loop3A_220 = arith.constant 32 : index
        %parallel_loop3A_221 = tpu.vector_load %arg9[%parallel_loop3A_219, %parallel_loop3A_220] {strides = array<i32>} : memref<256x128xf32, #tpu.memory_space<vmem>>, vector<1x16xf32>,
        %parallel_loop3A_222 = vector.shape_cast %parallel_loop3A_221 : vector<1x16xf32> to vector<16xf32>
        %parallel_loop3A_223 = arith.constant 8.000000e+00 : f32
        %parallel_loop3A_224 = vector.broadcast %parallel_loop3A_223 : f32 to vector<16xf32>
        %parallel_loop3A_225 = arith.mulf %parallel_loop3A_222, %parallel_loop3A_224 : vector<16xf32>
        %parallel_loop3A_226 = arith.addf %parallel_loop3A_225, %get3A_161 : vector<16xf32>
        %parallel_loop3A_227 = arith.index_cast %parallel_loop3A_192 : i32 to index
        %parallel_loop3A_228 = arith.constant 32 : index
        %parallel_loop3A_229 = tpu.vector_load %arg10[%parallel_loop3A_227, %parallel_loop3A_228] {strides = array<i32>} : memref<256x64xf32, #tpu.memory_space<vmem>>, vector<1x16xf32>,
        %parallel_loop3A_230 = vector.shape_cast %parallel_loop3A_229 : vector<1x16xf32> to vector<16xf32>
        %parallel_loop3A_231 = vector.shape_cast %parallel_loop3A_226 : vector<16xf32> to vector<1x16xf32>
        tpu.vector_store %arg10[%parallel_loop3A_227, %parallel_loop3A_228], %parallel_loop3A_231 {strides = array<i32>} : memref<256x64xf32, #tpu.memory_space<vmem>>, vector<1x16xf32>,
        %parallel_loop3A_232 = arith.index_cast %parallel_loop3A_192 : i32 to index
        %parallel_loop3A_233 = arith.constant 48 : index
        %parallel_loop3A_234 = tpu.vector_load %arg9[%parallel_loop3A_232, %parallel_loop3A_233] {strides = array<i32>} : memref<256x128xf32, #tpu.memory_space<vmem>>, vector<1x16xf32>,
        %parallel_loop3A_235 = vector.shape_cast %parallel_loop3A_234 : vector<1x16xf32> to vector<16xf32>
        %parallel_loop3A_236 = arith.constant 8.000000e+00 : f32
        %parallel_loop3A_237 = vector.broadcast %parallel_loop3A_236 : f32 to vector<16xf32>
        %parallel_loop3A_238 = arith.mulf %parallel_loop3A_235, %parallel_loop3A_237 : vector<16xf32>
        %parallel_loop3A_239 = arith.addf %parallel_loop3A_238, %get3A_166 : vector<16xf32>
        %parallel_loop3A_240 = arith.index_cast %parallel_loop3A_192 : i32 to index
        %parallel_loop3A_241 = arith.constant 48 : index
        %parallel_loop3A_242 = tpu.vector_load %arg10[%parallel_loop3A_240, %parallel_loop3A_241] {strides = array<i32>} : memref<256x64xf32, #tpu.memory_space<vmem>>, vector<1x16xf32>,
        %parallel_loop3A_243 = vector.shape_cast %parallel_loop3A_242 : vector<1x16xf32> to vector<16xf32>
        %parallel_loop3A_244 = vector.shape_cast %parallel_loop3A_239 : vector<16xf32> to vector<1x16xf32>
        tpu.vector_store %arg10[%parallel_loop3A_240, %parallel_loop3A_241], %parallel_loop3A_244 {strides = array<i32>} : memref<256x64xf32, #tpu.memory_space<vmem>>, vector<1x16xf32>,
      } {sc.loop_unroll_factor = 8 : i64, sc.parallel_access}
      %mul3A_190 = arith.constant 256 : i32
      %mul3A_191 = arith.muli %add3A_122, %mul3A_190 : i32
      "tpu.region"() ({
        %run_scoped3A = tpu.sem_alloc : memref<!tpu.dma_semaphore, #tpu.memory_space<semaphore_mem>>
        %dma_start3A_192 = arith.constant 0 : i32
        %dma_start3A_193 = tpu.memref_slice %arg5[%mul3A_191, %dma_start3A_192] : memref<819200x64xf32, #tpu.memory_space<hbm>> -> memref<256x64xf32, #tpu.memory_space<hbm>>
        %dma_start3A_194 = arith.constant 0 : i32
        %dma_start3A_195 = tpu.memref_slice %arg5[%mul3A_191, %dma_start3A_194] : memref<819200x64xf32, #tpu.memory_space<hbm>> -> memref<256x64xf32, #tpu.memory_space<hbm>>
        tpu.enqueue_dma source(%arg10 : memref<256x64xf32, #tpu.memory_space<vmem>>) target(%dma_start3A_195 : memref<256x64xf32, #tpu.memory_space<hbm>>) target_semaphore(%run_scoped3A : memref<!tpu.dma_semaphore, #tpu.memory_space<semaphore_mem>>)
        %dma_wait3A_196 = arith.constant 0 : i32
        %dma_wait3A_197 = tpu.memref_slice %arg5[%mul3A_191, %dma_wait3A_196] : memref<819200x64xf32, #tpu.memory_space<hbm>> -> memref<256x64xf32, #tpu.memory_space<hbm>>
        %dma_wait3A_198 = arith.constant 0 : i32
        %dma_wait3A_199 = tpu.memref_slice %arg5[%mul3A_191, %dma_wait3A_198] : memref<819200x64xf32, #tpu.memory_space<hbm>> -> memref<256x64xf32, #tpu.memory_space<hbm>>
        tpu.wait_dma2 semaphore(%run_scoped3A : memref<!tpu.dma_semaphore, #tpu.memory_space<semaphore_mem>>) src(%arg10 : memref<256x64xf32, #tpu.memory_space<vmem>>) dst(%dma_wait3A_199 : memref<256x64xf32, #tpu.memory_space<hbm>>)
        tpu.yield
      }) : () -> ()
    }
    %scan3A_28 = arith.constant 50 : i32
    return
  }
}

</mosaic_0001>

<sc_bundles>
// kernel: kernel.3.cloned.1.call-start
scs
__scs_entry_jumppad:
0x0: {  	(pc) =	sbr.rel $0x88, $3  }
0x1: {  	(tag) =	ssettag $0x0;
	lr =	simm.s32 $0x1  }
0x2: {  	[smem:$0x3F9E] =	sst lr;
	_ =	strace $0xD0000000  }
0x3: {  	_ = 	snop  }
0x4: {  	_ = 	snop  }
0x5: {  	_ = 	snop  }
0x6: {  	_ = 	snop  }
0x7: {  	_ = 	snop  }
__scs_overlays_trampoline_lowered:
0x8: {  	[smem:$0x3FAD] =	sst s0  }
0x9: {  	[smem:$0x3FAE] =	sst s1  }
0xa: {  	[smem:$0x3FAF] =	sst s2  }
0xb: {  	[smem:$0x3FB0] =	sst s3  }
0xc: {  	[smem:$0x3FB1] =	sst s4  }
0xd: {  	[smem:$0x3FB2] =	sst s5  }
0xe: {  	[smem:$0x3FB3] =	sst s6  }
0xf: {  	[smem:$0x3FB4] =	sst s7  }
0x10: {  	[smem:$0x3FB5] =	sst s8  }
0x11: {  	[smem:$0x3FB6] =	sst s9;
	s0 =	simm.s32 @!p0 $0x0  }
0x12: {  	s1 =	sld [smem:$0x3F9C];
	s0 =	simm.s32 @p0 $0x1  }
0x13: {  	[smem:$0x3FB7] =	sst s0;
	s0 =	simm.s32 @!p1 $0x0  }
0x14: {  	s2 =	sld [smem:$0x3F9B];
	s0 =	simm.s32 @p1 $0x1  }
0x15: {  	[smem:$0x3FB8] =	sst s0;
	s0 =	simm.s32 @!p2 $0x0  }
0x16: {  	s3 =	sld [smem:$0x3FDB];
	s0 =	simm.s32 @p2 $0x1  }
0x17: {  	s4 =	simm.s32 $0x1BF5;
	[smem:$0x3FBA] =	sst s0  }
0x18: {  	s0 =	sld [smem:$0x3F9D];
	_ =	swait.ge [sflag:s4], $0x0  }
0x19: {  	s7 =	sld [smem:$0x3F9E]  }
0x1a: {  	s8 =	sadd.s32 $0xFFFFE003, lr  }
0x1b: {  	s9 =	sadd.s32 $0xFFFFFEF7, lr;
	s5 =	simm.s32 $0xFFFFFFFF;
	p2 =	slt.u32 s8, $0xFFFFF086  }
0x1c: {  	p1 =	slt.u32 s9, $0xF7A;
	s5 =	simm.s32 @!p2 $0x0  }
0x1d: {  	s5 =	simm.s32 @p1 $0x1;
	p0 =	seq.s32 s7, s2  }
0x1e: {  	s7 =	smul.u32 @!p0 $0xF7A, s2;
	p2 =	seq.s32 @!p0 s5, $0x0  }
0x1f: {  	s9 =	smul.u32 $0xF7A, s1;
	s8 =	simm.s32 @!p0 $0x1BF5;
	p2 =	por !p2, p0  }
0x20: {  	[sflag:s8] =	ssyncset.s32 @!p0 $0xFFFFF086;
	s6 =	sadd.s32 @!p0 s3, s7;
	s7 =	simm.s32 @!p0 $0x108  }
0x21: {  	s3 =	sadd.s32 s3, s9;
	s6 =	sadd.s32 @!p0 $0x88, s6;
	s7 =	simm.s32 @p2 $0x1082  }
0x22: {  	[simem:s7], [sflag:s8] =	dma.local @!p0 [hbm:s6], $0xF7A  }
0x23: {  	s9 =	sor.u32 $0xD0000000, s2;
	s6 =	simm.s32 $0x108;
	_ =	swait.ge @!p0 [sflag:s8], $0x0  }
0x24: {  	s3 =	sadd.s32 $0x88, s3;
	s6 =	simm.s32 @!p1 $0x1082;
	[sflag:s4] =	ssyncset.s32 $0xFFFFF086  }
0x25: {  	[simem:s6], [sflag:s4] =	dma.local [hbm:s3], $0xF7A  }
0x26: {  	[smem:$0x3F9E] =	sst s1;
	(tag) =	ssettag s2;
	_ =	strace s9  }
0x27: {  	s1 =	sld [smem:$0x3FAE]  }
0x28: {  	s2 =	sld [smem:$0x3FAF]  }
0x29: {  	s4 =	sld [smem:$0x3FB1]  }
0x2a: {  	p0 =	seq.s32 s5, $0x0;
	s5 =	sld [smem:$0x3FB2]  }
0x2b: {  	s6 =	sld [smem:$0x3FB3]  }
0x2c: {  	s7 =	sld [smem:$0x3FB4]  }
0x2d: {  	s3 =	simm.s32 $0x108;
	s8 =	sld [smem:$0x3FB5]  }
0x2e: {  	s3 =	simm.s32 @!p0 $0x1082;
	s9 =	sld [smem:$0x3FB6]  }
0x2f: {  	lr =	sadd.s32 s0, s3;
	s0 =	sld [smem:$0x3FAD]  }
0x30: {  	s3 =	sld [smem:$0x3FB0]  }
0x31: {  	[smem:$0x3FB9] =	sst s10  }
0x32: {  	s10 =	sld [smem:$0x3FB7];
	_ =	sdelay $0x3  }
0x33: {  	p0 =	seq.s32 s10, $0x1;
	s10 =	sld [smem:$0x3FB9];
	_ =	sdelay $0x3  }
0x34: {  	[smem:$0x3FB9] =	sst s10  }
0x35: {  	s10 =	sld [smem:$0x3FB8];
	_ =	sdelay $0x3  }
0x36: {  	p1 =	seq.s32 s10, $0x1;
	s10 =	sld [smem:$0x3FB9];
	_ =	sdelay $0x3  }
0x37: {  	[smem:$0x3FB9] =	sst s10  }
0x38: {  	s10 =	sld [smem:$0x3FBA]  }
0x39: {  	_ = 	snop;
	(pc) =	sbr.ind lr, $3  }
0x3a: {  	_ = 	snop  }
0x3b: {  	_ = 	snop  }
0x3c: {  	p2 =	seq.s32 s10, $0x1;
	s10 =	sld [smem:$0x3FB9]  }
0x3d: {  	_ =	shalt  }
0x3e: {  	_ =	shalt  }
0x3f: {  	_ =	shalt  }
0x40: {  	_ =	shalt  }
0x41: {  	_ =	shalt  }
0x42: {  	_ =	shalt  }
0x43: {  	_ =	shalt  }
0x44: {  	_ =	shalt  }
0x45: {  	_ =	shalt  }
0x46: {  	_ =	shalt  }
0x47: {  	_ =	shalt  }
0x48: {  	_ =	shalt  }
0x49: {  	_ =	shalt  }
0x4a: {  	_ =	shalt  }
0x4b: {  	_ =	shalt  }
0x4c: {  	_ =	shalt  }
0x4d: {  	_ =	shalt  }
0x4e: {  	_ =	shalt  }
0x4f: {  	_ =	shalt  }
0x50: {  	_ =	shalt  }
0x51: {  	_ =	shalt  }
0x52: {  	_ =	shalt  }
0x53: {  	_ =	shalt  }
0x54: {  	_ =	shalt  }
0x55: {  	_ =	shalt  }
0x56: {  	_ =	shalt  }
0x57: {  	_ =	shalt  }
0x58: {  	_ =	shalt  }
0x59: {  	_ =	shalt  }
0x5a: {  	_ =	shalt  }
0x5b: {  	_ =	shalt  }
0x5c: {  	_ =	shalt  }
0x5d: {  	_ =	shalt  }
0x5e: {  	_ =	shalt  }
0x5f: {  	_ =	shalt  }
0x60: {  	_ =	shalt  }
0x61: {  	_ =	shalt  }
0x62: {  	_ =	shalt  }
0x63: {  	_ =	shalt  }
0x64: {  	_ =	shalt  }
0x65: {  	_ =	shalt  }
0x66: {  	_ =	shalt  }
0x67: {  	_ =	shalt  }
0x68: {  	_ =	shalt  }
0x69: {  	_ =	shalt  }
0x6a: {  	_ =	shalt  }
0x6b: {  	_ =	shalt  }
0x6c: {  	_ =	shalt  }
0x6d: {  	_ =	shalt  }
0x6e: {  	_ =	shalt  }
0x6f: {  	_ =	shalt  }
0x70: {  	_ =	shalt  }
0x71: {  	_ =	shalt  }
0x72: {  	_ =	shalt  }
0x73: {  	_ =	shalt  }
0x74: {  	_ =	shalt  }
0x75: {  	_ =	shalt  }
0x76: {  	_ =	shalt  }
0x77: {  	_ =	shalt  }
0x78: {  	_ =	shalt  }
0x79: {  	_ =	shalt  }
0x7a: {  	_ =	shalt  }
0x7b: {  	_ =	shalt  }
0x7c: {  	_ =	shalt  }
0x7d: {  	_ =	shalt  }
0x7e: {  	_ =	shalt  }
0x7f: {  	_ =	shalt  }
0x80: {  	_ =	shalt  }
0x81: {  	_ =	shalt  }
0x82: {  	_ =	shalt  }
0x83: {  	_ =	shalt  }
0x84: {  	_ =	shalt  }
0x85: {  	_ =	shalt  }
0x86: {  	_ =	shalt  }
0x87: {  	_ =	shalt  }
.Lfunc_end0:
.L_simem_size_0:
called_computation.1_lowered:
.L_overlay_start_0:
0x88: {  	s2 =	sld [smem:$0x3FD9]  }
0x89: {  	s3 =	sld [smem:$0x3FFE];
	_ =	sdelay $0x1  }
0x8a: {  	s1 =	srdreg.scid  }
0x8b: {  	s0 =	sand.u32 $0x1, s1  }
0x8c: {  	s17 =	sshll.u32 s0, $0xA;
	s2 =	sadd.s32 s3, s2  }
0x8d: {  	s2 =	sadd.s32 s2, s17  }
0x8e: {  	[smem:$0x3FC5] =	sst s2  }
0x8f: {  	_ = 	snop  }
0x90: {  	s2 =	sld [smem:$0x3FD0];
	(tm) =	ssettm $0x1  }
0x91: {  	s18 =	sld [smem:$0x3FFB];
	_ =	sdelay $0x3  }
0x92: {  	_ =	strace s18  }
0x93: {  	s3 =	sld [smem:$0x3FFC];
	_ =	sdelay $0x3  }
0x94: {  	_ =	strace s3  }
0x95: {  	s3 =	sld [smem:$0x3FFD];
	_ =	sdelay $0x3  }
0x96: {  	_ =	strace s3  }
0x97: {  	_ =	strace $0x8FFFFFFF  }
0x98: {  	s19 =	sld [smem:$0x3FDB];
	_ =	sdelay $0x1  }
0x99: {  	s4 =	simm.s32 $_scs_section_size  }
0x9a: {  	s5 =	simm.s32 $_size__tile_overlayer_lowered;
	s6 =	simm.s32 $_tile_overlayer_lowered  }
0x9b: {  	s22 =	simm.s32 $0x1BFF;
	s21 =	sshll.u32 s6, $0x1;
	s3 =	sadd.s32 s4, s19  }
0x9c: {  	s7 =	simm.s32 $0x0;
	s20 =	sshll.u32 s5, $0x1;
	s5 =	sadd.s32 s21, s3  }
0x9d: {  	[timem:s7], [sflag:s22] =	dma.local [hbm:s5], s20  }
0x9e: {  	_ =	swait.ge [sflag:s22], s20  }
0x9f: {  	s4 =	ssub.s32 $0x0, s20;
	[sflag:s22] =	ssyncset.done $0x0  }
0xa0: {  	[sflag:s22] =	ssyncadd.s32 s4;
	_ =	sdelay $0x1  }
0xa1: {  	s23 =	simm.s32 $0x1B8B  }
0xa2: {  	_ =	swait.ge [sflag:s23], $0x1  }
0xa3: {  	[sflag:s23] =	ssyncset.done $0x0  }
0xa4: {  	s25 =	simm.s32 $0x1B8E;
	s24 =	sld [smem:$0x3FFE];
	[sflag:s23] =	ssyncadd.s32 $0xFFFFFFFF  }
0xa5: {  	s26 =	simm.s32 $execute0_lowered;
	[smem:$0x3FD2] =	sst s25  }
0xa6: {  	s5 =	sshll.u32 s26, $0x1;
	_ =	strace $0x80000046;
	[dreg:$0x1] =	wrdreg $0xFFFFFFFF  }
0xa7: {  	s28 =	simm.s32 $_size_execute0_lowered;
	s3 =	sadd.s32 s3, s5;
	[dreg:$0x0] =	wrdreg $0x0  }
0xa8: {  	s5 =	sshll.u32 s28, $0x1;
	[dreg:$0x2] =	wrdreg s3  }
0xa9: {  	[dreg:$0x3] =	wrdreg s5  }
0xaa: {  	[dreg:$0x4] =	wrdreg $0xC0  }
0xab: {  	_ =	task [dreg:s7], $0x5FFFF  }
0xac: {  	[dreg:$0x1] =	wrdreg $0xFFFFFFFF  }
0xad: {  	[dreg:$0x0] =	wrdreg $0x60  }
0xae: {  	[dreg:$0x2] =	wrdreg s24  }
0xaf: {  	[dreg:$0x3] =	wrdreg s2  }
0xb0: {  	[dreg:$0x4] =	wrdreg $0x9  }
0xb1: {  	_ =	task.clear_ibuf [dreg:s7], $0x5FFFF;
	_ =	strace $0x90000046  }
0xb2: {  	s29 =	simm.s32 $0x9;
	_ =	strace $0x80000048  }
0xb3: {  	_ =	swait.ge [sflag:s29], $0x1  }
0xb4: {  	[sflag:s29] =	ssyncadd.s32 $0xFFFFFFFF  }
0xb5: {  	_ =	strace $0x90000048  }
0xb6: {  	_ =	sfence  }
0xb7: {  	s30 =	sld [smem:$0x0];
	_ =	sdelay $0x2  }
0xb8: {  	s31 =	sshll.u32 s1, $0xD;
	s1 =	sshrl.u32 s1, $0x2  }
0xb9: {  	s3 =	sand.u32 $0x4000, s31;
	s1 =	sadd.s32 s1, s30  }
0xba: {  	s0 =	sor.u32 s3, s0;
	s1 =	sshll.u32 s1, $0x11  }
0xbb: {  	s0 =	sor.u32 s1, s0  }
0xbc: {  	s0 =	sadd.s32 $0x8F2B, s0  }
0xbd: {  	[sflag:s0] =	ssyncadd.remote.s32 $0x1  }
0xbe: {  	_ =	sfence.sel $0xFFFF  }
0xbf: {  	[dreg:$0x0] =	wrdreg $0xFFFFFFFF;
	(pc) =	sbr.abs _section_cstart, $3  }
0xc0: {  	[dreg:$0x1] =	wrdreg $0xFFFFFFFF  }
0xc1: {  	_ =	task.clear_ibuf [dreg:s7], $0x2FFFF;
	_ =	strace $0x9FFFFFFF  }
0xc2: {  	(tm) =	ssettm $0x7FFFFFFF  }
0xc3: {  	_ =	shalt  }
tec
execute0_lowered:
.L_overlay_start_1:
0x0: {  	(tag) =	ssettag $0x1  }
0x1: {  	s0 =	rddreg [dreg:$0x0]  }
0x2: {  	s2 =	rddreg [dreg:$0x1];
	s3 =	simm.s32 $0x0  }
0x3: {  	s1 =	srdreg.scid;
	s4 =	stileid.u32;
	s11 =	simm.s32 $0x3  }
0x4: {  	s12 =	simm.s32 $0x80;
	s14 =	simm.s32 $0x4200;
	s15 =	simm.s32 $0x100  }
0x5: {  	s16 =	simm.s32 $0x8200;
	s17 =	simm.s32 $0x180;
	s18 =	simm.s32 $0xC200  }
0x6: {  	s19 =	simm.s32 $0x18200;
	s20 =	simm.s32 $0x1;
	s21 =	simm.s32 $0x10200  }
0x7: {  	s22 =	simm.s32 $0x2;
	s23 =	simm.s32 $0x0;
	[smem:$0x7FF] =	sst s3  }
0x8: {  	s1 =	sand.u32 $0x1, s1;
	s4 =	sshll.u32 s4, $0x1;
	s5 =	sadd.s32 $0xF5C000, s0  }
0x9: {  	s6 =	sadd.s32 $0xC00, s0;
	s7 =	sor.u32 s1, s4;
	s1 =	ssub.s32 $0x2, s1  }
0xa: {  	_ =	strace $0x80000047;
	s8 =	smul.u32 $0xC80, s7;
	s9 =	sshrl.u32 s1, $0x1  }
0xb: {  	s4 =	sadd.s32 $0xF43000, s0;
	s7 =	smul.u32 $0x64, s7;
	s1 =	ssub.s32 s1, s9  }
0xc: {  	s9 =	sadd.s32 $0xF43040, s0;
	s8 =	sadd.s32 s4, s8;
	s10 =	smax.u32 s1, $0x1  }
.LBB2_1:
0xd: {  	[tilespmem:s3], [sflag:$0x3] =	stream.linear.gather [hbm4b:s8+s3], $0x100, $0x38;
	[tilespmem:$0x18280] =	vst v63  }
0xe: {  	_ =	swait.ge [sflag:s11], $0x100  }
0xf: {  	[sflag:s11] =	ssyncset.done $0x0  }
0x10: {  	s0 =	simm.s32 $0x200;
	[sflag:s11] =	ssyncadd.s32 $0xFFFFFF00  }
0x11: {  	[tilespmem:s0], [sflag:$0x1] =	stream.indirect.gather [hbm4b:s5+s12], $0x80, s3, s12, $0xb8;
	[tilespmem:$0x18280] =	vst v63  }
0x12: {  	s24 =	simm.s32 $0x0  }
0x13: {  	[tilespmem:s14], [sflag:$0x1] =	stream.indirect.gather [hbm4b:s5+s12], $0x80, s12, s12, $0xb8;
	[tilespmem:$0x18280] =	vst v63  }
.LBB2_2:
0x14: {  	s0 =	sshll.u32 s24, $0x1  }
0x15: {  	s29 =	sadd.s32 s7, s0  }
0x16: {  	s25 =	sor.u32 $0x1, s29;
	s26 =	sshll.u32 s29, $0x5  }
0x17: {  	s13 =	sand.u32 $0xFFFFF80, s26;
	s1 =	sshll.u32 s25, $0x5  }
0x18: {  	s1 =	sand.u32 $0x60, s1;
	s0 =	sadd.s32 s4, s13  }
0x19: {  	s0 =	sadd.s32 s1, s0  }
0x1a: {  	[tilespmem:s15], [sflag:$0x3] =	stream.linear.gather [hbm4b:s0+s3], $0x100, $0x38;
	[tilespmem:$0x18280] =	vst v63  }
0x1b: {  	_ =	swait.ge [sflag:s11], $0x100  }
0x1c: {  	[sflag:s11] =	ssyncset.done $0x0  }
0x1d: {  	[sflag:s11] =	ssyncadd.s32 $0xFFFFFF00  }
0x1e: {  	[tilespmem:s16], [sflag:$0x2] =	stream.indirect.gather [hbm4b:s5+s12], $0x80, s15, s12, $0xb8;
	[tilespmem:$0x18280] =	vst v63  }
0x1f: {  	s1 =	sand.u32 $0x1FF0, s29  }
0x20: {  	[tilespmem:s18], [sflag:$0x2] =	stream.indirect.gather [hbm4b:s5+s12], $0x80, s17, s12, $0xb8;
	[tilespmem:$0x18280] =	vst v63  }
0x21: {  	s28 =	sadd.s32 s2, s1  }
0x22: {  	[tilespmem:s19], [sflag:$0x3] =	stream.linear.gather [hbm4b:s28+s3], $0x80, $0x38;
	[tilespmem:$0x18280] =	vst v63  }
0x23: {  	_ =	swait.ge [sflag:s11], $0x80  }
0x24: {  	[sflag:s11] =	ssyncset.done $0x0  }
0x25: {  	[sflag:s11] =	ssyncadd.s32 $0xFFFFFF80  }
0x26: {  	v2 =	vld [tilespmem:$0x18200]  }
0x27: {  	v3 =	vld [tilespmem:$0x18210]  }
0x28: {  	v1 =	vld [tilespmem:$0x18220]  }
0x29: {  	v0 =	vld [tilespmem:$0x18230];
	_ =	swait.ge [sflag:s20], $0x4000  }
0x2a: {  	[sflag:s20] =	ssyncset.done $0x0  }
0x2b: {  	[sflag:s20] =	ssyncadd.s32 $0xFFFFC000  }
0x2c: {  	_ =	swait.ge [sflag:s20], $0x4000  }
0x2d: {  	[sflag:s20] =	ssyncset.done $0x0  }
0x2e: {  	s13 =	simm.s32 $0x400;
	[sflag:s20] =	ssyncadd.s32 $0xFFFFC000  }
0x2f: {  	v4 =	vld [tilespmem:s13+$0x180]  }
0x30: {  	v5 =	vld [tilespmem:s13+$0xFFFFFE80];
	_ =	sdelay $0x1  }
0x31: {  	v6 =	vld [tilespmem:s13+$0xFFFFFF00]  }
0x32: {  	v7 =	vld [tilespmem:s13+$0xFFFFFF80]  }
0x33: {  	v8 =	vld [tilespmem:s13+$0x0];
	v4 =	vmul.f32 $8.000000000e+00, v4  }
0x34: {  	v9 =	vld [tilespmem:s13+$0x80];
	v5 =	vmul.f32 $8.000000000e+00, v5  }
0x35: {  	v10 =	vld [tilespmem:s13+$0x100];
	v4 =	vadd.f32 v4, v2  }
0x36: {  	s30 =	simm.s32 $0x10400;
	v11 =	vld [tilespmem:s13+$0xFFFFFE00];
	v6 =	vmul.f32 $8.000000000e+00, v6;
	v5 =	vadd.f32 v5, v2  }
0x37: {  	[tilespmem:s30+$0x180] =	vst v4;
	v4 =	vmul.f32 $8.000000000e+00, v7  }
0x38: {  	v6 =	vadd.f32 v6, v2;
	[tilespmem:s30+$0xFFFFFE80] =	vst v5;
	v7 =	vmul.f32 $8.000000000e+00, v8;
	v5 =	vld [tilespmem:s13+$0x190]  }
0x39: {  	v9 =	vmul.f32 $8.000000000e+00, v9;
	v8 =	vld [tilespmem:s13+$0xFFFFFE90];
	v4 =	vadd.f32 v4, v2  }
0x3a: {  	[tilespmem:s30+$0xFFFFFF00] =	vst v6;
	v6 =	vadd.f32 v7, v2;
	v7 =	vmul.f32 $8.000000000e+00, v10  }
0x3b: {  	v10 =	vmul.f32 $8.000000000e+00, v11;
	v11 =	vld [tilespmem:s13+$0xFFFFFF10];
	[tilespmem:s30+$0xFFFFFF80] =	vst v4;
	v4 =	vadd.f32 v9, v2  }
0x3c: {  	[tilespmem:s30+$0x0] =	vst v6;
	v6 =	vadd.f32 v7, v2;
	v9 =	vld [tilespmem:s13+$0xFFFFFF90]  }
0x3d: {  	v7 =	vadd.f32 v10, v2;
	v10 =	vld [tilespmem:s13+$0x10];
	v5 =	vmul.f32 $8.000000000e+00, v5;
	[tilespmem:s30+$0x80] =	vst v4  }
0x3e: {  	v4 =	vmul.f32 $8.000000000e+00, v8;
	[tilespmem:s30+$0x100] =	vst v6;
	v8 =	vld [tilespmem:s13+$0x90]  }
0x3f: {  	[tilespmem:s30+$0xFFFFFE00] =	vst v7;
	v6 =	vld [tilespmem:s13+$0x110];
	v5 =	vadd.f32 v5, v3  }
0x40: {  	v7 =	vld [tilespmem:s13+$0xFFFFFE10];
	v11 =	vmul.f32 $8.000000000e+00, v11;
	v4 =	vadd.f32 v4, v3  }
0x41: {  	[tilespmem:s30+$0x190] =	vst v5;
	v5 =	vmul.f32 $8.000000000e+00, v9  }
0x42: {  	[tilespmem:s30+$0xFFFFFE90] =	vst v4;
	v9 =	vadd.f32 v11, v3;
	v10 =	vmul.f32 $8.000000000e+00, v10;
	v4 =	vld [tilespmem:s13+$0x1A0]  }
0x43: {  	v11 =	vld [tilespmem:s13+$0xFFFFFEA0];
	v5 =	vadd.f32 v5, v3;
	v8 =	vmul.f32 $8.000000000e+00, v8  }
0x44: {  	[tilespmem:s30+$0xFFFFFF10] =	vst v9;
	v9 =	vadd.f32 v10, v3;
	v6 =	vmul.f32 $8.000000000e+00, v6  }
0x45: {  	v7 =	vmul.f32 $8.000000000e+00, v7;
	v10 =	vld [tilespmem:s13+$0xFFFFFF20];
	[tilespmem:s30+$0xFFFFFF90] =	vst v5;
	v5 =	vadd.f32 v8, v3  }
0x46: {  	[tilespmem:s30+$0x10] =	vst v9;
	v6 =	vadd.f32 v6, v3;
	v8 =	vld [tilespmem:s13+$0xFFFFFFA0]  }
0x47: {  	v7 =	vadd.f32 v7, v3;
	v9 =	vld [tilespmem:s13+$0x20];
	v4 =	vmul.f32 $8.000000000e+00, v4;
	[tilespmem:s30+$0x90] =	vst v5  }
0x48: {  	v5 =	vmul.f32 $8.000000000e+00, v11;
	[tilespmem:s30+$0x110] =	vst v6;
	v11 =	vld [tilespmem:s13+$0xA0]  }
0x49: {  	[tilespmem:s30+$0xFFFFFE10] =	vst v7;
	v6 =	vld [tilespmem:s13+$0x120];
	v4 =	vadd.f32 v4, v1  }
0x4a: {  	s31 =	simm.s32 $0x800;
	v7 =	vld [tilespmem:s13+$0xFFFFFE20];
	v5 =	vadd.f32 v5, v1;
	v10 =	vmul.f32 $8.000000000e+00, v10  }
0x4b: {  	v12 =	vld [tilespmem:s31+$0x180];
	[tilespmem:s30+$0x1A0] =	vst v4;
	v4 =	vmul.f32 $8.000000000e+00, v8  }
0x4c: {  	[tilespmem:s30+$0xFFFFFEA0] =	vst v5;
	v8 =	vadd.f32 v10, v1;
	v9 =	vmul.f32 $8.000000000e+00, v9;
	v5 =	vld [tilespmem:s13+$0x1B0]  }
0x4d: {  	v10 =	vld [tilespmem:s13+$0xFFFFFEB0];
	v4 =	vadd.f32 v4, v1;
	v11 =	vmul.f32 $8.000000000e+00, v11  }
0x4e: {  	[tilespmem:s30+$0xFFFFFF20] =	vst v8;
	v8 =	vadd.f32 v9, v1;
	v6 =	vmul.f32 $8.000000000e+00, v6;
	v9 =	vld [tilespmem:s31+$0xFFFFFE80]  }
0x4f: {  	v7 =	vmul.f32 $8.000000000e+00, v7;
	[tilespmem:s30+$0xFFFFFFA0] =	vst v4;
	v4 =	vadd.f32 v11, v1;
	v11 =	vld [tilespmem:s31+$0xFFFFFF00]  }
0x50: {  	v12 =	vmul.f32 $8.000000000e+00, v12;
	[tilespmem:s30+$0x20] =	vst v8;
	v6 =	vadd.f32 v6, v1;
	v8 =	vld [tilespmem:s31+$0xFFFFFF80]  }
0x51: {  	v7 =	vadd.f32 v7, v1;
	v5 =	vmul.f32 $8.000000000e+00, v5;
	[tilespmem:s30+$0xA0] =	vst v4;
	v4 =	vld [tilespmem:s31+$0x0]  }
0x52: {  	v12 =	vadd.f32 v12, v2;
	v10 =	vmul.f32 $8.000000000e+00, v10;
	[tilespmem:s30+$0x120] =	vst v6;
	v6 =	vld [tilespmem:s31+$0x80]  }
0x53: {  	s0 =	simm.s32 $0x10800;
	[tilespmem:s30+$0xFFFFFE20] =	vst v7;
	v7 =	vmul.f32 $8.000000000e+00, v9;
	v9 =	vld [tilespmem:s31+$0x100];
	v5 =	vadd.f32 v5, v0  }
0x54: {  	v13 =	vld [tilespmem:s31+$0xFFFFFE00];
	[tilespmem:s0+$0x180] =	vst v12;
	v10 =	vadd.f32 v10, v0;
	v11 =	vmul.f32 $8.000000000e+00, v11  }
0x55: {  	[tilespmem:s30+$0x1B0] =	vst v5;
	v5 =	vadd.f32 v7, v2;
	v7 =	vmul.f32 $8.000000000e+00, v8;
	v8 =	vld [tilespmem:s13+$0xFFFFFE30]  }
0x56: {  	[tilespmem:s30+$0xFFFFFEB0] =	vst v10;
	v10 =	vadd.f32 v11, v2;
	v4 =	vmul.f32 $8.000000000e+00, v4;
	v11 =	vld [tilespmem:s13+$0xFFFFFF30]  }
0x57: {  	v6 =	vmul.f32 $8.000000000e+00, v6;
	[tilespmem:s0+$0xFFFFFE80] =	vst v5;
	v5 =	vadd.f32 v7, v2;
	v7 =	vld [tilespmem:s31+$0x190]  }
0x58: {  	v9 =	vmul.f32 $8.000000000e+00, v9;
	v12 =	vld [tilespmem:s31+$0xFFFFFE90];
	[tilespmem:s0+$0xFFFFFF00] =	vst v10;
	v4 =	vadd.f32 v4, v2  }
0x59: {  	v10 =	vmul.f32 $8.000000000e+00, v13;
	v13 =	vld [tilespmem:s31+$0xFFFFFF10];
	[tilespmem:s0+$0xFFFFFF80] =	vst v5;
	v5 =	vadd.f32 v6, v2  }
0x5a: {  	v6 =	vld [tilespmem:s31+$0xFFFFFF90];
	[tilespmem:s0+$0x0] =	vst v4;
	v4 =	vadd.f32 v9, v2;
	v8 =	vmul.f32 $8.000000000e+00, v8  }
0x5b: {  	v9 =	vadd.f32 v10, v2;
	v10 =	vld [tilespmem:s31+$0x10];
	[tilespmem:s0+$0x80] =	vst v5;
	v5 =	vmul.f32 $8.000000000e+00, v11  }
0x5c: {  	v11 =	vld [tilespmem:s31+$0x90];
	[tilespmem:s0+$0x100] =	vst v4;
	v4 =	vmul.f32 $8.000000000e+00, v7;
	v7 =	vadd.f32 v8, v0  }
0x5d: {  	[tilespmem:s0+$0xFFFFFE00] =	vst v9;
	v8 =	vmul.f32 $8.000000000e+00, v12;
	v9 =	vld [tilespmem:s31+$0x110];
	v5 =	vadd.f32 v5, v0  }
0x5e: {  	v12 =	vld [tilespmem:s31+$0xFFFFFE10];
	v13 =	vmul.f32 $8.000000000e+00, v13;
	v4 =	vadd.f32 v4, v3;
	[tilespmem:s30+$0xFFFFFE30] =	vst v7  }
0x5f: {  	v7 =	vadd.f32 v8, v3;
	v6 =	vmul.f32 $8.000000000e+00, v6;
	[tilespmem:s30+$0xFFFFFF30] =	vst v5;
	v5 =	vld [tilespmem:s13+$0xFFFFFFB0]  }
0x60: {  	v8 =	vadd.f32 v13, v3;
	v10 =	vmul.f32 $8.000000000e+00, v10;
	[tilespmem:s0+$0x190] =	vst v4;
	v4 =	vld [tilespmem:s13+$0x30]  }
0x61: {  	[tilespmem:s0+$0xFFFFFE90] =	vst v7;
	v6 =	vadd.f32 v6, v3;
	v7 =	vmul.f32 $8.000000000e+00, v11;
	v11 =	vld [tilespmem:s31+$0x1A0]  }
0x62: {  	v13 =	vld [tilespmem:s31+$0xFFFFFEA0];
	[tilespmem:s0+$0xFFFFFF10] =	vst v8;
	v8 =	vadd.f32 v10, v3;
	v9 =	vmul.f32 $8.000000000e+00, v9  }
0x63: {  	v10 =	vmul.f32 $8.000000000e+00, v12;
	v12 =	vld [tilespmem:s31+$0xFFFFFF20];
	[tilespmem:s0+$0xFFFFFF90] =	vst v6;
	v6 =	vadd.f32 v7, v3  }
0x64: {  	v7 =	vld [tilespmem:s31+$0xFFFFFFA0];
	[tilespmem:s0+$0x10] =	vst v8;
	v8 =	vadd.f32 v9, v3;
	v5 =	vmul.f32 $8.000000000e+00, v5  }
0x65: {  	v9 =	vadd.f32 v10, v3;
	v10 =	vld [tilespmem:s31+$0x20];
	[tilespmem:s0+$0x90] =	vst v6;
	v4 =	vmul.f32 $8.000000000e+00, v4  }
0x66: {  	v14 =	vld [tilespmem:s31+$0xA0];
	[tilespmem:s0+$0x110] =	vst v8;
	v6 =	vmul.f32 $8.000000000e+00, v11;
	v8 =	vadd.f32 v5, v0  }
0x67: {  	[tilespmem:s0+$0xFFFFFE10] =	vst v9;
	v9 =	vmul.f32 $8.000000000e+00, v13;
	v13 =	vld [tilespmem:s31+$0x120];
	v4 =	vadd.f32 v4, v0  }
0x68: {  	v5 =	vld [tilespmem:s31+$0xFFFFFE20];
	v11 =	vmul.f32 $8.000000000e+00, v12;
	v12 =	vadd.f32 v6, v1;
	[tilespmem:s30+$0xFFFFFFB0] =	vst v8  }
0x69: {  	v6 =	vld [tilespmem:s13+$0xB0];
	v8 =	vadd.f32 v9, v1;
	v9 =	vmul.f32 $8.000000000e+00, v7;
	[tilespmem:s30+$0x30] =	vst v4  }
0x6a: {  	v7 =	vld [tilespmem:s13+$0x130];
	v11 =	vadd.f32 v11, v1;
	v15 =	vmul.f32 $8.000000000e+00, v10;
	[tilespmem:s0+$0x1A0] =	vst v12  }
0x6b: {  	[tilespmem:s0+$0xFFFFFEA0] =	vst v8;
	v9 =	vadd.f32 v9, v1;
	v8 =	vld [tilespmem:s31+$0x1B0];
	v10 =	vmul.f32 $8.000000000e+00, v14  }
0x6c: {  	s1 =	simm.s32 $0x8;
	s13 =	simm.s32 $0xC00;
	v4 =	vld [tilespmem:s31+$0xFFFFFEB0];
	[tilespmem:s0+$0xFFFFFF20] =	vst v11;
	v11 =	vadd.f32 v15, v1;
	v12 =	vmul.f32 $8.000000000e+00, v13  }
.LBB2_3:
0x6d: {  	v13 =	vld [tilespmem:s13+$0x180];
	s1 =	sadd.s32 $0x8, s1;
	v5 =	vmul.f32 $8.000000000e+00, v5;
	[tilespmem:s0+$0xFFFFFFA0] =	vst v9;
	v9 =	vadd.f32 v10, v1  }
0x6e: {  	v10 =	vld [tilespmem:s13+$0xFFFFFE80];
	p0 =	slt.u32 s1, $0xF8;
	[tilespmem:s0+$0x20] =	vst v11;
	v11 =	vadd.f32 v12, v1;
	v6 =	vmul.f32 $8.000000000e+00, v6  }
0x6f: {  	v12 =	vld [tilespmem:s13+$0xFFFFFF00];
	v5 =	vadd.f32 v5, v1;
	[tilespmem:s0+$0xA0] =	vst v9;
	v7 =	vmul.f32 $8.000000000e+00, v7  }
0x70: {  	v9 =	vld [tilespmem:s13+$0xFFFFFF80];
	[tilespmem:s0+$0x120] =	vst v11;
	v8 =	vmul.f32 $8.000000000e+00, v8;
	v6 =	vadd.f32 v6, v0  }
0x71: {  	v11 =	vld [tilespmem:s13+$0x0];
	[tilespmem:s0+$0xFFFFFE20] =	vst v5;
	v4 =	vmul.f32 $8.000000000e+00, v4;
	v5 =	vadd.f32 v7, v0  }
0x72: {  	v7 =	vld [tilespmem:s13+$0x80];
	v13 =	vmul.f32 $8.000000000e+00, v13;
	v8 =	vadd.f32 v8, v0;
	[tilespmem:s30+$0xB0] =	vst v6  }
0x73: {  	v6 =	vmul.f32 $8.000000000e+00, v10;
	v10 =	vld [tilespmem:s13+$0x100];
	v4 =	vadd.f32 v4, v0;
	[tilespmem:s30+$0x130] =	vst v5;
	s30 =	smov.u32 s0  }
0x74: {  	v5 =	vld [tilespmem:s13+$0xFFFFFE00];
	v12 =	vmul.f32 $8.000000000e+00, v12;
	v13 =	vadd.f32 v13, v2;
	[tilespmem:s0+$0x1B0] =	vst v8  }
0x75: {  	s0 =	sadd.s32 $0x400, s0;
	v6 =	vadd.f32 v6, v2;
	v8 =	vmul.f32 $8.000000000e+00, v9;
	v9 =	vld [tilespmem:s31+$0xFFFFFE30];
	[tilespmem:s30+$0xFFFFFEB0] =	vst v4  }
0x76: {  	v4 =	vadd.f32 v12, v2;
	v11 =	vmul.f32 $8.000000000e+00, v11;
	[tilespmem:s0+$0x180] =	vst v13;
	v12 =	vld [tilespmem:s31+$0xFFFFFF30]  }
0x77: {  	[tilespmem:s0+$0xFFFFFE80] =	vst v6;
	v6 =	vadd.f32 v8, v2;
	v7 =	vmul.f32 $8.000000000e+00, v7;
	v8 =	vld [tilespmem:s13+$0x190]  }
0x78: {  	v13 =	vld [tilespmem:s13+$0xFFFFFE90];
	[tilespmem:s0+$0xFFFFFF00] =	vst v4;
	v4 =	vadd.f32 v11, v2;
	v10 =	vmul.f32 $8.000000000e+00, v10  }
0x79: {  	v5 =	vmul.f32 $8.000000000e+00, v5;
	v11 =	vld [tilespmem:s13+$0xFFFFFF10];
	[tilespmem:s0+$0xFFFFFF80] =	vst v6;
	v6 =	vadd.f32 v7, v2  }
0x7a: {  	v7 =	vld [tilespmem:s13+$0xFFFFFF90];
	[tilespmem:s0+$0x0] =	vst v4;
	v4 =	vadd.f32 v10, v2;
	v9 =	vmul.f32 $8.000000000e+00, v9  }
0x7b: {  	v5 =	vadd.f32 v5, v2;
	v10 =	vld [tilespmem:s13+$0x10];
	[tilespmem:s0+$0x80] =	vst v6;
	v6 =	vmul.f32 $8.000000000e+00, v12  }
0x7c: {  	v12 =	vld [tilespmem:s13+$0x90];
	[tilespmem:s0+$0x100] =	vst v4;
	v4 =	vmul.f32 $8.000000000e+00, v8;
	v8 =	vadd.f32 v9, v0  }
0x7d: {  	[tilespmem:s0+$0xFFFFFE00] =	vst v5;
	v5 =	vmul.f32 $8.000000000e+00, v13;
	v9 =	vld [tilespmem:s13+$0x110];
	v6 =	vadd.f32 v6, v0  }
0x7e: {  	v13 =	vld [tilespmem:s13+$0xFFFFFE10];
	v11 =	vmul.f32 $8.000000000e+00, v11;
	v4 =	vadd.f32 v4, v3;
	[tilespmem:s30+$0xFFFFFE30] =	vst v8  }
0x7f: {  	v5 =	vadd.f32 v5, v3;
	v7 =	vmul.f32 $8.000000000e+00, v7;
	[tilespmem:s30+$0xFFFFFF30] =	vst v6;
	v6 =	vld [tilespmem:s31+$0xFFFFFFB0]  }
0x80: {  	v8 =	vadd.f32 v11, v3;
	v10 =	vmul.f32 $8.000000000e+00, v10;
	[tilespmem:s0+$0x190] =	vst v4;
	v4 =	vld [tilespmem:s31+$0x30]  }
0x81: {  	[tilespmem:s0+$0xFFFFFE90] =	vst v5;
	v5 =	vadd.f32 v7, v3;
	v7 =	vmul.f32 $8.000000000e+00, v12;
	v11 =	vld [tilespmem:s13+$0x1A0]  }
0x82: {  	v12 =	vld [tilespmem:s13+$0xFFFFFEA0];
	[tilespmem:s0+$0xFFFFFF10] =	vst v8;
	v8 =	vadd.f32 v10, v3;
	v9 =	vmul.f32 $8.000000000e+00, v9  }
0x83: {  	v10 =	vmul.f32 $8.000000000e+00, v13;
	v13 =	vld [tilespmem:s13+$0xFFFFFF20];
	[tilespmem:s0+$0xFFFFFF90] =	vst v5;
	v5 =	vadd.f32 v7, v3  }
0x84: {  	v7 =	vld [tilespmem:s13+$0xFFFFFFA0];
	[tilespmem:s0+$0x10] =	vst v8;
	v8 =	vadd.f32 v9, v3;
	v6 =	vmul.f32 $8.000000000e+00, v6  }
0x85: {  	v9 =	vadd.f32 v10, v3;
	v10 =	vld [tilespmem:s13+$0x20];
	[tilespmem:s0+$0x90] =	vst v5;
	v4 =	vmul.f32 $8.000000000e+00, v4  }
0x86: {  	v14 =	vld [tilespmem:s13+$0xA0];
	[tilespmem:s0+$0x110] =	vst v8;
	v8 =	vmul.f32 $8.000000000e+00, v11;
	v6 =	vadd.f32 v6, v0  }
0x87: {  	[tilespmem:s0+$0xFFFFFE10] =	vst v9;
	v9 =	vmul.f32 $8.000000000e+00, v12;
	v12 =	vld [tilespmem:s13+$0x120];
	v4 =	vadd.f32 v4, v0  }
.Ltmp0:
0x88: {  	v5 =	vld [tilespmem:s13+$0xFFFFFE20];
	v11 =	vmul.f32 $8.000000000e+00, v13;
	v8 =	vadd.f32 v8, v1;
	[tilespmem:s30+$0xFFFFFFB0] =	vst v6;
	(pc) =	sbr.rel @p0 .LBB2_3-.Ltmp0, $4  }
0x89: {  	v9 =	vadd.f32 v9, v1;
	v13 =	vmul.f32 $8.000000000e+00, v7;
	[tilespmem:s30+$0x30] =	vst v4;
	v6 =	vld [tilespmem:s31+$0xB0]  }
0x8a: {  	v11 =	vadd.f32 v11, v1;
	v15 =	vmul.f32 $8.000000000e+00, v10;
	[tilespmem:s0+$0x1A0] =	vst v8;
	v7 =	vld [tilespmem:s31+$0x130];
	s31 =	smov.u32 s13  }
0x8b: {  	[tilespmem:s0+$0xFFFFFEA0] =	vst v9;
	v9 =	vadd.f32 v13, v1;
	v10 =	vmul.f32 $8.000000000e+00, v14;
	v8 =	vld [tilespmem:s13+$0x1B0]  }
0x8c: {  	s13 =	sadd.s32 $0x400, s13;
	v4 =	vld [tilespmem:s31+$0xFFFFFEB0];
	[tilespmem:s0+$0xFFFFFF20] =	vst v11;
	v11 =	vadd.f32 v15, v1;
	v12 =	vmul.f32 $8.000000000e+00, v12  }
0x8d: {  	v2 =	vmul.f32 $8.000000000e+00, v5;
	_ =	sdelay $0x1  }
0x8e: {  	v2 =	vadd.f32 v2, v1;
	_ =	sdelay $0x1  }
0x8f: {  	[tilespmem:s0+$0xFFFFFE20] =	vst v2  }
0x90: {  	v2 =	vld [tilespmem:s31+$0xFFFFFE30]  }
0x91: {  	[tilespmem:s0+$0xFFFFFFA0] =	vst v9;
	v3 =	vadd.f32 v10, v1;
	v5 =	vmul.f32 $8.000000000e+00, v6;
	v6 =	vld [tilespmem:s31+$0xFFFFFF30]  }
0x92: {  	[tilespmem:s0+$0x20] =	vst v11;
	v9 =	vld [tilespmem:s31+$0xFFFFFFB0];
	v1 =	vadd.f32 v12, v1;
	v7 =	vmul.f32 $8.000000000e+00, v7  }
0x93: {  	[tilespmem:s0+$0xA0] =	vst v3;
	v3 =	vmul.f32 $8.000000000e+00, v8;
	v5 =	vadd.f32 v5, v0;
	v8 =	vld [tilespmem:s31+$0x30]  }
0x94: {  	[tilespmem:s0+$0x120] =	vst v1;
	v1 =	vmul.f32 $8.000000000e+00, v4;
	v4 =	vadd.f32 v7, v0;
	v7 =	vld [tilespmem:s31+$0xB0]  }
0x95: {  	v3 =	vadd.f32 v3, v0;
	[tilespmem:s30+$0xB0] =	vst v5;
	v5 =	vld [tilespmem:s31+$0x130];
	v2 =	vmul.f32 $8.000000000e+00, v2  }
0x96: {  	v1 =	vadd.f32 v1, v0;
	[tilespmem:s30+$0x130] =	vst v4;
	v4 =	vmul.f32 $8.000000000e+00, v6  }
0x97: {  	[tilespmem:s0+$0x1B0] =	vst v3;
	v3 =	vmul.f32 $8.000000000e+00, v9;
	v2 =	vadd.f32 v2, v0  }
0x98: {  	[tilespmem:s0+$0xFFFFFEB0] =	vst v1;
	v1 =	vadd.f32 v4, v0;
	v4 =	vmul.f32 $8.000000000e+00, v8  }
0x99: {  	[tilespmem:s0+$0xFFFFFE30] =	vst v2;
	v2 =	vadd.f32 v3, v0;
	v3 =	vmul.f32 $8.000000000e+00, v7  }
0x9a: {  	[tilespmem:s0+$0xFFFFFF30] =	vst v1;
	v1 =	vadd.f32 v4, v0;
	v4 =	vmul.f32 $8.000000000e+00, v5  }
0x9b: {  	[tilespmem:s0+$0xFFFFFFB0] =	vst v2;
	v2 =	vadd.f32 v3, v0  }
0x9c: {  	[tilespmem:s0+$0x30] =	vst v1;
	v0 =	vadd.f32 v4, v0  }
0x9d: {  	s1 =	sshll.u32 s29, $0xC;
	[tilespmem:s0+$0xB0] =	vst v2  }
0x9e: {  	s30 =	sadd.s32 s6, s1;
	[tilespmem:s0+$0x130] =	vst v0  }
0x9f: {  	[hbm4b:s30+s3] =	stream.linear.scatter [tilespmem:s21], [sflag:$0x3], $0x8000, $0x38;
	[tilespmem:$0x18280] =	vst v63  }
0xa0: {  	_ =	swait.ge [sflag:s11], $0x8000  }
0xa1: {  	p0 =	seq.s32 s24, $0x31;
	[sflag:s11] =	ssyncset.done $0x0  }
0xa2: {  	s1 =	simm.s32 @!p0 $0x0;
	s0 =	sadd.s32 @!p0 s26, s9;
	[sflag:s11] =	ssyncadd.s32 $0xFFFF8000  }
0xa3: {  	[tilespmem:s1], [sflag:$0x3] =	stream.linear.gather @!p0 [hbm4b:s0+s1], $0x100, $0x38;
	[tilespmem:$0x18280] =	vst v63  }
0xa4: {  	s0 =	simm.s32 @!p0 $0x3  }
0xa5: {  	_ =	swait.ge @!p0 [sflag:s0], $0x100  }
0xa6: {  	[sflag:s0] =	ssyncset.done @!p0 $0x0  }
0xa7: {  	s13 =	simm.s32 @!p0 $0x200;
	[sflag:s0] =	ssyncadd.s32 @!p0 $0xFFFFFF00;
	s0 =	simm.s32 @!p0 $0x80  }
0xa8: {  	[tilespmem:s13], [sflag:$0x1] =	stream.indirect.gather @!p0 [hbm4b:s5+s0], $0x80, s1, s0, $0xb8;
	[tilespmem:$0x18280] =	vst v63  }
0xa9: {  	s1 =	simm.s32 @!p0 $0x4200  }
0xaa: {  	[tilespmem:s1], [sflag:$0x1] =	stream.indirect.gather @!p0 [hbm4b:s5+s0], $0x80, s0, s0, $0xb8;
	[tilespmem:$0x18280] =	vst v63  }
0xab: {  	_ = 	snop  }
0xac: {  	[tilespmem:s19], [sflag:$0x3] =	stream.linear.gather [hbm4b:s28+s3], $0x80, $0x38;
	[tilespmem:$0x18280] =	vst v63  }
0xad: {  	_ =	swait.ge [sflag:s11], $0x80  }
0xae: {  	[sflag:s11] =	ssyncset.done $0x0  }
0xaf: {  	[sflag:s11] =	ssyncadd.s32 $0xFFFFFF80  }
0xb0: {  	v2 =	vld [tilespmem:$0x18200]  }
0xb1: {  	v3 =	vld [tilespmem:$0x18210]  }
0xb2: {  	v1 =	vld [tilespmem:$0x18220]  }
0xb3: {  	v0 =	vld [tilespmem:$0x18230];
	_ =	swait.ge [sflag:s22], $0x4000  }
0xb4: {  	[sflag:s22] =	ssyncset.done $0x0  }
0xb5: {  	[sflag:s22] =	ssyncadd.s32 $0xFFFFC000  }
0xb6: {  	_ =	swait.ge [sflag:s22], $0x4000  }
0xb7: {  	[sflag:s22] =	ssyncset.done $0x0  }
0xb8: {  	s31 =	simm.s32 $0x8400;
	[sflag:s22] =	ssyncadd.s32 $0xFFFFC000  }
0xb9: {  	v4 =	vld [tilespmem:s31+$0x180]  }
0xba: {  	v5 =	vld [tilespmem:s31+$0xFFFFFE80];
	_ =	sdelay $0x1  }
0xbb: {  	v6 =	vld [tilespmem:s31+$0xFFFFFF00]  }
0xbc: {  	v7 =	vld [tilespmem:s31+$0xFFFFFF80]  }
0xbd: {  	v8 =	vld [tilespmem:s31+$0x0];
	v4 =	vmul.f32 $8.000000000e+00, v4  }
0xbe: {  	v9 =	vld [tilespmem:s31+$0x80];
	v5 =	vmul.f32 $8.000000000e+00, v5  }
0xbf: {  	v10 =	vld [tilespmem:s31+$0x100];
	v4 =	vadd.f32 v4, v2  }
0xc0: {  	s26 =	simm.s32 $0x10400;
	v11 =	vld [tilespmem:s31+$0xFFFFFE00];
	v6 =	vmul.f32 $8.000000000e+00, v6;
	v5 =	vadd.f32 v5, v2  }
0xc1: {  	[tilespmem:s26+$0x180] =	vst v4;
	v4 =	vmul.f32 $8.000000000e+00, v7  }
0xc2: {  	v6 =	vadd.f32 v6, v2;
	[tilespmem:s26+$0xFFFFFE80] =	vst v5;
	v7 =	vmul.f32 $8.000000000e+00, v8;
	v5 =	vld [tilespmem:s31+$0x190]  }
0xc3: {  	v9 =	vmul.f32 $8.000000000e+00, v9;
	v8 =	vld [tilespmem:s31+$0xFFFFFE90];
	v4 =	vadd.f32 v4, v2  }
0xc4: {  	[tilespmem:s26+$0xFFFFFF00] =	vst v6;
	v6 =	vadd.f32 v7, v2;
	v7 =	vmul.f32 $8.000000000e+00, v10  }
0xc5: {  	v10 =	vmul.f32 $8.000000000e+00, v11;
	v11 =	vld [tilespmem:s31+$0xFFFFFF10];
	[tilespmem:s26+$0xFFFFFF80] =	vst v4;
	v4 =	vadd.f32 v9, v2  }
0xc6: {  	[tilespmem:s26+$0x0] =	vst v6;
	v6 =	vadd.f32 v7, v2;
	v9 =	vld [tilespmem:s31+$0xFFFFFF90]  }
0xc7: {  	v7 =	vadd.f32 v10, v2;
	v10 =	vld [tilespmem:s31+$0x10];
	v5 =	vmul.f32 $8.000000000e+00, v5;
	[tilespmem:s26+$0x80] =	vst v4  }
0xc8: {  	v4 =	vmul.f32 $8.000000000e+00, v8;
	[tilespmem:s26+$0x100] =	vst v6;
	v8 =	vld [tilespmem:s31+$0x90]  }
0xc9: {  	[tilespmem:s26+$0xFFFFFE00] =	vst v7;
	v6 =	vld [tilespmem:s31+$0x110];
	v5 =	vadd.f32 v5, v3  }
0xca: {  	v7 =	vld [tilespmem:s31+$0xFFFFFE10];
	v11 =	vmul.f32 $8.000000000e+00, v11;
	v4 =	vadd.f32 v4, v3  }
0xcb: {  	[tilespmem:s26+$0x190] =	vst v5;
	v5 =	vmul.f32 $8.000000000e+00, v9  }
0xcc: {  	[tilespmem:s26+$0xFFFFFE90] =	vst v4;
	v9 =	vadd.f32 v11, v3;
	v10 =	vmul.f32 $8.000000000e+00, v10;
	v4 =	vld [tilespmem:s31+$0x1A0]  }
0xcd: {  	v11 =	vld [tilespmem:s31+$0xFFFFFEA0];
	v5 =	vadd.f32 v5, v3;
	v8 =	vmul.f32 $8.000000000e+00, v8  }
0xce: {  	[tilespmem:s26+$0xFFFFFF10] =	vst v9;
	v9 =	vadd.f32 v10, v3;
	v6 =	vmul.f32 $8.000000000e+00, v6  }
0xcf: {  	v7 =	vmul.f32 $8.000000000e+00, v7;
	v10 =	vld [tilespmem:s31+$0xFFFFFF20];
	[tilespmem:s26+$0xFFFFFF90] =	vst v5;
	v5 =	vadd.f32 v8, v3  }
0xd0: {  	[tilespmem:s26+$0x10] =	vst v9;
	v6 =	vadd.f32 v6, v3;
	v8 =	vld [tilespmem:s31+$0xFFFFFFA0]  }
0xd1: {  	v7 =	vadd.f32 v7, v3;
	v9 =	vld [tilespmem:s31+$0x20];
	v4 =	vmul.f32 $8.000000000e+00, v4;
	[tilespmem:s26+$0x90] =	vst v5  }
0xd2: {  	v5 =	vmul.f32 $8.000000000e+00, v11;
	[tilespmem:s26+$0x110] =	vst v6;
	v11 =	vld [tilespmem:s31+$0xA0]  }
0xd3: {  	[tilespmem:s26+$0xFFFFFE10] =	vst v7;
	v6 =	vld [tilespmem:s31+$0x120];
	v4 =	vadd.f32 v4, v1  }
0xd4: {  	s28 =	simm.s32 $0x8800;
	v7 =	vld [tilespmem:s31+$0xFFFFFE20];
	v5 =	vadd.f32 v5, v1;
	v10 =	vmul.f32 $8.000000000e+00, v10  }
0xd5: {  	v12 =	vld [tilespmem:s28+$0x180];
	[tilespmem:s26+$0x1A0] =	vst v4;
	v4 =	vmul.f32 $8.000000000e+00, v8  }
0xd6: {  	[tilespmem:s26+$0xFFFFFEA0] =	vst v5;
	v8 =	vadd.f32 v10, v1;
	v9 =	vmul.f32 $8.000000000e+00, v9;
	v5 =	vld [tilespmem:s31+$0x1B0]  }
0xd7: {  	v10 =	vld [tilespmem:s31+$0xFFFFFEB0];
	v4 =	vadd.f32 v4, v1;
	v11 =	vmul.f32 $8.000000000e+00, v11  }
0xd8: {  	[tilespmem:s26+$0xFFFFFF20] =	vst v8;
	v8 =	vadd.f32 v9, v1;
	v6 =	vmul.f32 $8.000000000e+00, v6;
	v9 =	vld [tilespmem:s28+$0xFFFFFE80]  }
0xd9: {  	v7 =	vmul.f32 $8.000000000e+00, v7;
	[tilespmem:s26+$0xFFFFFFA0] =	vst v4;
	v4 =	vadd.f32 v11, v1;
	v11 =	vld [tilespmem:s28+$0xFFFFFF00]  }
0xda: {  	v12 =	vmul.f32 $8.000000000e+00, v12;
	[tilespmem:s26+$0x20] =	vst v8;
	v6 =	vadd.f32 v6, v1;
	v8 =	vld [tilespmem:s28+$0xFFFFFF80]  }
0xdb: {  	v7 =	vadd.f32 v7, v1;
	v5 =	vmul.f32 $8.000000000e+00, v5;
	[tilespmem:s26+$0xA0] =	vst v4;
	v4 =	vld [tilespmem:s28+$0x0]  }
0xdc: {  	v12 =	vadd.f32 v12, v2;
	v10 =	vmul.f32 $8.000000000e+00, v10;
	[tilespmem:s26+$0x120] =	vst v6;
	v6 =	vld [tilespmem:s28+$0x80]  }
0xdd: {  	s29 =	simm.s32 $0x10800;
	[tilespmem:s26+$0xFFFFFE20] =	vst v7;
	v7 =	vmul.f32 $8.000000000e+00, v9;
	v9 =	vld [tilespmem:s28+$0x100];
	v5 =	vadd.f32 v5, v0  }
0xde: {  	v13 =	vld [tilespmem:s28+$0xFFFFFE00];
	[tilespmem:s29+$0x180] =	vst v12;
	v10 =	vadd.f32 v10, v0;
	v11 =	vmul.f32 $8.000000000e+00, v11  }
0xdf: {  	[tilespmem:s26+$0x1B0] =	vst v5;
	v5 =	vadd.f32 v7, v2;
	v7 =	vmul.f32 $8.000000000e+00, v8;
	v8 =	vld [tilespmem:s31+$0xFFFFFE30]  }
0xe0: {  	[tilespmem:s26+$0xFFFFFEB0] =	vst v10;
	v10 =	vadd.f32 v11, v2;
	v4 =	vmul.f32 $8.000000000e+00, v4;
	v11 =	vld [tilespmem:s31+$0xFFFFFF30]  }
0xe1: {  	v6 =	vmul.f32 $8.000000000e+00, v6;
	[tilespmem:s29+$0xFFFFFE80] =	vst v5;
	v5 =	vadd.f32 v7, v2;
	v7 =	vld [tilespmem:s28+$0x190]  }
0xe2: {  	v9 =	vmul.f32 $8.000000000e+00, v9;
	v12 =	vld [tilespmem:s28+$0xFFFFFE90];
	[tilespmem:s29+$0xFFFFFF00] =	vst v10;
	v4 =	vadd.f32 v4, v2  }
0xe3: {  	v10 =	vmul.f32 $8.000000000e+00, v13;
	v13 =	vld [tilespmem:s28+$0xFFFFFF10];
	[tilespmem:s29+$0xFFFFFF80] =	vst v5;
	v5 =	vadd.f32 v6, v2  }
0xe4: {  	v6 =	vld [tilespmem:s28+$0xFFFFFF90];
	[tilespmem:s29+$0x0] =	vst v4;
	v4 =	vadd.f32 v9, v2;
	v8 =	vmul.f32 $8.000000000e+00, v8  }
0xe5: {  	v9 =	vadd.f32 v10, v2;
	v10 =	vld [tilespmem:s28+$0x10];
	[tilespmem:s29+$0x80] =	vst v5;
	v5 =	vmul.f32 $8.000000000e+00, v11  }
0xe6: {  	v11 =	vld [tilespmem:s28+$0x90];
	[tilespmem:s29+$0x100] =	vst v4;
	v4 =	vmul.f32 $8.000000000e+00, v7;
	v7 =	vadd.f32 v8, v0  }
0xe7: {  	[tilespmem:s29+$0xFFFFFE00] =	vst v9;
	v8 =	vmul.f32 $8.000000000e+00, v12;
	v9 =	vld [tilespmem:s28+$0x110];
	v5 =	vadd.f32 v5, v0  }
0xe8: {  	v12 =	vld [tilespmem:s28+$0xFFFFFE10];
	v13 =	vmul.f32 $8.000000000e+00, v13;
	v4 =	vadd.f32 v4, v3;
	[tilespmem:s26+$0xFFFFFE30] =	vst v7  }
0xe9: {  	v7 =	vadd.f32 v8, v3;
	v6 =	vmul.f32 $8.000000000e+00, v6;
	[tilespmem:s26+$0xFFFFFF30] =	vst v5;
	v5 =	vld [tilespmem:s31+$0xFFFFFFB0]  }
0xea: {  	v8 =	vadd.f32 v13, v3;
	v10 =	vmul.f32 $8.000000000e+00, v10;
	[tilespmem:s29+$0x190] =	vst v4;
	v4 =	vld [tilespmem:s31+$0x30]  }
0xeb: {  	[tilespmem:s29+$0xFFFFFE90] =	vst v7;
	v6 =	vadd.f32 v6, v3;
	v7 =	vmul.f32 $8.000000000e+00, v11;
	v11 =	vld [tilespmem:s28+$0x1A0]  }
0xec: {  	v13 =	vld [tilespmem:s28+$0xFFFFFEA0];
	[tilespmem:s29+$0xFFFFFF10] =	vst v8;
	v8 =	vadd.f32 v10, v3;
	v9 =	vmul.f32 $8.000000000e+00, v9  }
0xed: {  	v10 =	vmul.f32 $8.000000000e+00, v12;
	v12 =	vld [tilespmem:s28+$0xFFFFFF20];
	[tilespmem:s29+$0xFFFFFF90] =	vst v6;
	v6 =	vadd.f32 v7, v3  }
0xee: {  	v7 =	vld [tilespmem:s28+$0xFFFFFFA0];
	[tilespmem:s29+$0x10] =	vst v8;
	v8 =	vadd.f32 v9, v3;
	v5 =	vmul.f32 $8.000000000e+00, v5  }
0xef: {  	v9 =	vadd.f32 v10, v3;
	v10 =	vld [tilespmem:s28+$0x20];
	[tilespmem:s29+$0x90] =	vst v6;
	v4 =	vmul.f32 $8.000000000e+00, v4  }
0xf0: {  	v14 =	vld [tilespmem:s28+$0xA0];
	[tilespmem:s29+$0x110] =	vst v8;
	v6 =	vmul.f32 $8.000000000e+00, v11;
	v8 =	vadd.f32 v5, v0  }
0xf1: {  	[tilespmem:s29+$0xFFFFFE10] =	vst v9;
	v9 =	vmul.f32 $8.000000000e+00, v13;
	v13 =	vld [tilespmem:s28+$0x120];
	v4 =	vadd.f32 v4, v0  }
0xf2: {  	v5 =	vld [tilespmem:s28+$0xFFFFFE20];
	v11 =	vmul.f32 $8.000000000e+00, v12;
	v12 =	vadd.f32 v6, v1;
	[tilespmem:s26+$0xFFFFFFB0] =	vst v8  }
0xf3: {  	v6 =	vld [tilespmem:s31+$0xB0];
	v8 =	vadd.f32 v9, v1;
	v9 =	vmul.f32 $8.000000000e+00, v7;
	[tilespmem:s26+$0x30] =	vst v4  }
0xf4: {  	v7 =	vld [tilespmem:s31+$0x130];
	v11 =	vadd.f32 v11, v1;
	v15 =	vmul.f32 $8.000000000e+00, v10;
	[tilespmem:s29+$0x1A0] =	vst v12  }
0xf5: {  	[tilespmem:s29+$0xFFFFFEA0] =	vst v8;
	v9 =	vadd.f32 v9, v1;
	v8 =	vld [tilespmem:s28+$0x1B0];
	v10 =	vmul.f32 $8.000000000e+00, v14  }
0xf6: {  	s0 =	simm.s32 $0x8;
	s1 =	simm.s32 $0x8C00;
	v4 =	vld [tilespmem:s28+$0xFFFFFEB0];
	[tilespmem:s29+$0xFFFFFF20] =	vst v11;
	v11 =	vadd.f32 v15, v1;
	v12 =	vmul.f32 $8.000000000e+00, v13  }
.LBB2_5:
0xf7: {  	v13 =	vld [tilespmem:s1+$0x180];
	s0 =	sadd.s32 $0x8, s0;
	v5 =	vmul.f32 $8.000000000e+00, v5;
	[tilespmem:s29+$0xFFFFFFA0] =	vst v9;
	v9 =	vadd.f32 v10, v1  }
0xf8: {  	v10 =	vld [tilespmem:s1+$0xFFFFFE80];
	p0 =	slt.u32 s0, $0xF8;
	[tilespmem:s29+$0x20] =	vst v11;
	v11 =	vadd.f32 v12, v1;
	v6 =	vmul.f32 $8.000000000e+00, v6  }
0xf9: {  	v12 =	vld [tilespmem:s1+$0xFFFFFF00];
	v5 =	vadd.f32 v5, v1;
	[tilespmem:s29+$0xA0] =	vst v9;
	v7 =	vmul.f32 $8.000000000e+00, v7  }
0xfa: {  	v9 =	vld [tilespmem:s1+$0xFFFFFF80];
	[tilespmem:s29+$0x120] =	vst v11;
	v8 =	vmul.f32 $8.000000000e+00, v8;
	v6 =	vadd.f32 v6, v0  }
0xfb: {  	v11 =	vld [tilespmem:s1+$0x0];
	[tilespmem:s29+$0xFFFFFE20] =	vst v5;
	v4 =	vmul.f32 $8.000000000e+00, v4;
	v5 =	vadd.f32 v7, v0  }
0xfc: {  	v7 =	vld [tilespmem:s1+$0x80];
	v13 =	vmul.f32 $8.000000000e+00, v13;
	v8 =	vadd.f32 v8, v0;
	[tilespmem:s26+$0xB0] =	vst v6  }
0xfd: {  	v6 =	vmul.f32 $8.000000000e+00, v10;
	v10 =	vld [tilespmem:s1+$0x100];
	v4 =	vadd.f32 v4, v0;
	[tilespmem:s26+$0x130] =	vst v5;
	s26 =	smov.u32 s29  }
0xfe: {  	v5 =	vld [tilespmem:s1+$0xFFFFFE00];
	v12 =	vmul.f32 $8.000000000e+00, v12;
	v13 =	vadd.f32 v13, v2;
	[tilespmem:s29+$0x1B0] =	vst v8  }
0xff: {  	s29 =	sadd.s32 $0x400, s29;
	v6 =	vadd.f32 v6, v2;
	v8 =	vmul.f32 $8.000000000e+00, v9;
	v9 =	vld [tilespmem:s28+$0xFFFFFE30];
	[tilespmem:s26+$0xFFFFFEB0] =	vst v4  }
0x100: {  	v4 =	vadd.f32 v12, v2;
	v11 =	vmul.f32 $8.000000000e+00, v11;
	[tilespmem:s29+$0x180] =	vst v13;
	v12 =	vld [tilespmem:s28+$0xFFFFFF30]  }
0x101: {  	[tilespmem:s29+$0xFFFFFE80] =	vst v6;
	v6 =	vadd.f32 v8, v2;
	v7 =	vmul.f32 $8.000000000e+00, v7;
	v8 =	vld [tilespmem:s1+$0x190]  }
0x102: {  	v13 =	vld [tilespmem:s1+$0xFFFFFE90];
	[tilespmem:s29+$0xFFFFFF00] =	vst v4;
	v4 =	vadd.f32 v11, v2;
	v10 =	vmul.f32 $8.000000000e+00, v10  }
0x103: {  	v5 =	vmul.f32 $8.000000000e+00, v5;
	v11 =	vld [tilespmem:s1+$0xFFFFFF10];
	[tilespmem:s29+$0xFFFFFF80] =	vst v6;
	v6 =	vadd.f32 v7, v2  }
0x104: {  	v7 =	vld [tilespmem:s1+$0xFFFFFF90];
	[tilespmem:s29+$0x0] =	vst v4;
	v4 =	vadd.f32 v10, v2;
	v9 =	vmul.f32 $8.000000000e+00, v9  }
0x105: {  	v5 =	vadd.f32 v5, v2;
	v10 =	vld [tilespmem:s1+$0x10];
	[tilespmem:s29+$0x80] =	vst v6;
	v6 =	vmul.f32 $8.000000000e+00, v12  }
0x106: {  	v12 =	vld [tilespmem:s1+$0x90];
	[tilespmem:s29+$0x100] =	vst v4;
	v4 =	vmul.f32 $8.000000000e+00, v8;
	v8 =	vadd.f32 v9, v0  }
0x107: {  	[tilespmem:s29+$0xFFFFFE00] =	vst v5;
	v5 =	vmul.f32 $8.000000000e+00, v13;
	v9 =	vld [tilespmem:s1+$0x110];
	v6 =	vadd.f32 v6, v0  }
0x108: {  	v13 =	vld [tilespmem:s1+$0xFFFFFE10];
	v11 =	vmul.f32 $8.000000000e+00, v11;
	v4 =	vadd.f32 v4, v3;
	[tilespmem:s26+$0xFFFFFE30] =	vst v8  }
0x109: {  	v5 =	vadd.f32 v5, v3;
	v7 =	vmul.f32 $8.000000000e+00, v7;
	[tilespmem:s26+$0xFFFFFF30] =	vst v6;
	v6 =	vld [tilespmem:s28+$0xFFFFFFB0]  }
0x10a: {  	v8 =	vadd.f32 v11, v3;
	v10 =	vmul.f32 $8.000000000e+00, v10;
	[tilespmem:s29+$0x190] =	vst v4;
	v4 =	vld [tilespmem:s28+$0x30]  }
0x10b: {  	[tilespmem:s29+$0xFFFFFE90] =	vst v5;
	v5 =	vadd.f32 v7, v3;
	v7 =	vmul.f32 $8.000000000e+00, v12;
	v11 =	vld [tilespmem:s1+$0x1A0]  }
0x10c: {  	v12 =	vld [tilespmem:s1+$0xFFFFFEA0];
	[tilespmem:s29+$0xFFFFFF10] =	vst v8;
	v8 =	vadd.f32 v10, v3;
	v9 =	vmul.f32 $8.000000000e+00, v9  }
0x10d: {  	v10 =	vmul.f32 $8.000000000e+00, v13;
	v13 =	vld [tilespmem:s1+$0xFFFFFF20];
	[tilespmem:s29+$0xFFFFFF90] =	vst v5;
	v5 =	vadd.f32 v7, v3  }
0x10e: {  	v7 =	vld [tilespmem:s1+$0xFFFFFFA0];
	[tilespmem:s29+$0x10] =	vst v8;
	v8 =	vadd.f32 v9, v3;
	v6 =	vmul.f32 $8.000000000e+00, v6  }
0x10f: {  	v9 =	vadd.f32 v10, v3;
	v10 =	vld [tilespmem:s1+$0x20];
	[tilespmem:s29+$0x90] =	vst v5;
	v4 =	vmul.f32 $8.000000000e+00, v4  }
0x110: {  	v14 =	vld [tilespmem:s1+$0xA0];
	[tilespmem:s29+$0x110] =	vst v8;
	v8 =	vmul.f32 $8.000000000e+00, v11;
	v6 =	vadd.f32 v6, v0  }
0x111: {  	[tilespmem:s29+$0xFFFFFE10] =	vst v9;
	v9 =	vmul.f32 $8.000000000e+00, v12;
	v12 =	vld [tilespmem:s1+$0x120];
	v4 =	vadd.f32 v4, v0  }
.Ltmp1:
0x112: {  	v5 =	vld [tilespmem:s1+$0xFFFFFE20];
	v11 =	vmul.f32 $8.000000000e+00, v13;
	v8 =	vadd.f32 v8, v1;
	[tilespmem:s26+$0xFFFFFFB0] =	vst v6;
	(pc) =	sbr.rel @p0 .LBB2_5-.Ltmp1, $4  }
0x113: {  	v9 =	vadd.f32 v9, v1;
	v13 =	vmul.f32 $8.000000000e+00, v7;
	[tilespmem:s26+$0x30] =	vst v4;
	v6 =	vld [tilespmem:s28+$0xB0]  }
0x114: {  	v11 =	vadd.f32 v11, v1;
	v15 =	vmul.f32 $8.000000000e+00, v10;
	[tilespmem:s29+$0x1A0] =	vst v8;
	v7 =	vld [tilespmem:s28+$0x130];
	s28 =	smov.u32 s1  }
0x115: {  	[tilespmem:s29+$0xFFFFFEA0] =	vst v9;
	v9 =	vadd.f32 v13, v1;
	v10 =	vmul.f32 $8.000000000e+00, v14;
	v8 =	vld [tilespmem:s1+$0x1B0]  }
0x116: {  	s1 =	sadd.s32 $0x400, s1;
	v4 =	vld [tilespmem:s28+$0xFFFFFEB0];
	[tilespmem:s29+$0xFFFFFF20] =	vst v11;
	v11 =	vadd.f32 v15, v1;
	v12 =	vmul.f32 $8.000000000e+00, v12  }
0x117: {  	v2 =	vmul.f32 $8.000000000e+00, v5;
	[tilespmem:s29+$0xFFFFFFA0] =	vst v9;
	v3 =	vadd.f32 v10, v1;
	v46 =	vld [tilespmem:s28+$0xFFFFFF30]  }
0x118: {  	v45 =	vmul.f32 $8.000000000e+00, v6;
	[tilespmem:s29+$0x20] =	vst v11;
	v47 =	vadd.f32 v12, v1;
	v9 =	vld [tilespmem:s28+$0xFFFFFFB0]  }
0x119: {  	v2 =	vadd.f32 v2, v1;
	v7 =	vmul.f32 $8.000000000e+00, v7;
	[tilespmem:s29+$0xA0] =	vst v3;
	v49 =	vld [tilespmem:s28+$0x30]  }
0x11a: {  	v48 =	vmul.f32 $8.000000000e+00, v8;
	v5 =	vadd.f32 v45, v0;
	[tilespmem:s29+$0x120] =	vst v47;
	v52 =	vld [tilespmem:s28+$0xB0]  }
0x11b: {  	[tilespmem:s29+$0xFFFFFE20] =	vst v2;
	v50 =	vmul.f32 $8.000000000e+00, v4;
	v51 =	vadd.f32 v7, v0;
	v53 =	vld [tilespmem:s28+$0x130]  }
0x11c: {  	v2 =	vld [tilespmem:s28+$0xFFFFFE30];
	v3 =	vadd.f32 v48, v0;
	[tilespmem:s26+$0xB0] =	vst v5;
	v54 =	vmul.f32 $8.000000000e+00, v46  }
0x11d: {  	v1 =	vadd.f32 v50, v0;
	[tilespmem:s26+$0x130] =	vst v51;
	v55 =	vmul.f32 $8.000000000e+00, v9  }
0x11e: {  	[tilespmem:s29+$0x1B0] =	vst v3;
	v56 =	vadd.f32 v54, v0;
	v57 =	vmul.f32 $8.000000000e+00, v49  }
0x11f: {  	[tilespmem:s29+$0xFFFFFEB0] =	vst v1;
	v58 =	vadd.f32 v55, v0;
	v59 =	vmul.f32 $8.000000000e+00, v52  }
0x120: {  	[tilespmem:s29+$0xFFFFFF30] =	vst v56;
	v60 =	vadd.f32 v57, v0;
	v61 =	vmul.f32 $8.000000000e+00, v53  }
0x121: {  	v2 =	vmul.f32 $8.000000000e+00, v2;
	[tilespmem:s29+$0xFFFFFFB0] =	vst v58;
	v62 =	vadd.f32 v59, v0  }
0x122: {  	[tilespmem:s29+$0x30] =	vst v60;
	v63 =	vadd.f32 v61, v0  }
0x123: {  	s0 =	sshll.u32 s25, $0xC;
	s24 =	sadd.s32 $0x1, s24;
	v2 =	vadd.f32 v2, v0;
	[tilespmem:s29+$0xB0] =	vst v62  }
0x124: {  	s0 =	sand.u32 $0x1FFFF000, s0;
	p0 =	sne.s32 s24, $0x32;
	[tilespmem:s29+$0x130] =	vst v63  }
.Ltmp2:
0x125: {  	s0 =	sadd.s32 s6, s0;
	[tilespmem:s29+$0xFFFFFE30] =	vst v2;
	(pc) =	sbr.rel @p0 .LBB2_2-.Ltmp2, $4  }
0x126: {  	[hbm4b:s0+s3] =	stream.linear.scatter [tilespmem:s21], [sflag:$0x3], $0x8000, $0x38;
	[tilespmem:$0x18280] =	vst v63  }
0x127: {  	_ =	swait.ge [sflag:s11], $0x8000  }
0x128: {  	[sflag:s11] =	ssyncset.done $0x0  }
0x129: {  	[sflag:s11] =	ssyncadd.s32 $0xFFFF8000  }
0x12a: {  	s23 =	sadd.s32 $0x1, s23  }
0x12b: {  	p0 =	sne.s32 s23, s10  }
.Ltmp3:
0x12c: {  	_ = 	snop;
	(pc) =	sbr.rel @p0 .LBB2_1-.Ltmp3, $1  }
0x12d: {  	_ =	sdelay $0x3  }
0x12e: {  	_ =	sfence.sel $0x180000  }
0x12f: {  	[bflag:$0x0] =	sbarrier.arrive $0xFFFF  }
0x130: {  	_ =	strace $0x90000047  }
0x131: {  	s0 =	stileid.u32;
	[bflag:$0x2] =	sbarrier.arrive $0xFFFF  }
0x132: {  	p0 =	sne.s32 s0, $0x0;
	s0 =	rddreg [dreg:$0x2]  }
0x133: {  	s0 =	sadd.s32 @!p0 $0x100000, s0  }
0x134: {  	[sflag:s0] =	ssyncadd.tile.s32 @!p0 $0x1;
	_ =	shalt  }
.Lfunc_end2:
_tile_overlayer_lowered:
.L_overlay_start_2:
0x135: {  	(tag) =	ssettag $0x2  }
0x136: {  	s0 =	rddreg [dreg:$0x0];
	s2 =	stileid.u32  }
0x137: {  	s1 =	rddreg [dreg:$0x1];
	p0 =	sne.s32 s2, $0x0  }
0x138: {  	s3 =	rddreg [dreg:$0x2];
	[bflag:$0x3] =	sbarrier.arrive $0xFFFF;
	s2 =	simm.s32 @!p0 $0x1C03  }
0x139: {  	[timem:s3], [sflag:s2] =	dma.local @!p0 [hbm:s0], s1  }
0x13a: {  	s0 =	simm.s32 @!p0 $0x3  }
0x13b: {  	_ =	swait.ge @!p0 [sflag:s0], s1  }
0x13c: {  	s1 =	ssub.s32 @!p0 $0x0, s1;
	[sflag:s0] =	ssyncset.done @!p0 $0x0  }
0x13d: {  	[sflag:s0] =	ssyncadd.s32 @!p0 s1  }
0x13e: {  	[bflag:$0x3] =	sbarrier.arrive $0xFFFF  }
0x13f: {  	_ =	shalt  }

// kernel: sparse-core-data-format-call.cloned.1.call-start
scs
called_computation_lowered:
.L_overlay_start_0:
0x0: {  	s2 =	sld [smem:$0x3FD9]  }
0x1: {  	s3 =	sld [smem:$0x3FFE];
	_ =	sdelay $0x1  }
0x2: {  	s1 =	srdreg.scid  }
0x3: {  	s0 =	sand.u32 $0x1, s1  }
0x4: {  	s18 =	sshll.u32 s0, $0xA;
	s2 =	sadd.s32 s3, s2  }
0x5: {  	s2 =	sadd.s32 s2, s18  }
0x6: {  	[smem:$0x3FC5] =	sst s2  }
0x7: {  	_ = 	snop  }
0x8: {  	s2 =	sld [smem:$0x3FD0];
	(tm) =	ssettm $0x1  }
0x9: {  	s19 =	sld [smem:$0x3FFB];
	_ =	sdelay $0x3  }
0xa: {  	_ =	strace s19  }
0xb: {  	s3 =	sld [smem:$0x3FFC];
	_ =	sdelay $0x3  }
0xc: {  	_ =	strace s3  }
0xd: {  	s3 =	sld [smem:$0x3FFD];
	_ =	sdelay $0x3  }
0xe: {  	_ =	strace s3  }
0xf: {  	_ =	strace $0x8FFFFFFF  }
0x10: {  	s20 =	sld [smem:$0x3FDB];
	_ =	sdelay $0x1  }
0x11: {  	s4 =	simm.s32 $_scs_section_size  }
0x12: {  	s5 =	simm.s32 $_size__tile_overlayer_lowered;
	s6 =	simm.s32 $_tile_overlayer_lowered  }
0x13: {  	s23 =	simm.s32 $0x1BFF;
	s22 =	sshll.u32 s6, $0x1;
	s3 =	sadd.s32 s4, s20  }
0x14: {  	s7 =	simm.s32 $0x0;
	s21 =	sshll.u32 s5, $0x1;
	s5 =	sadd.s32 s22, s3  }
0x15: {  	[timem:s7], [sflag:s23] =	dma.local [hbm:s5], s21  }
0x16: {  	_ =	swait.ge [sflag:s23], s21  }
0x17: {  	s4 =	ssub.s32 $0x0, s21;
	[sflag:s23] =	ssyncset.done $0x0  }
0x18: {  	[sflag:s23] =	ssyncadd.s32 s4;
	_ =	sdelay $0x1  }
0x19: {  	s24 =	simm.s32 $0x1B8B  }
0x1a: {  	_ =	swait.ge [sflag:s24], $0x1  }
0x1b: {  	[sflag:s24] =	ssyncset.done $0x0  }
0x1c: {  	s26 =	simm.s32 $0x1B8E;
	s25 =	sld [smem:$0x3FFE];
	[sflag:s24] =	ssyncadd.s32 $0xFFFFFFFF  }
0x1d: {  	s27 =	simm.s32 $execute0_lowered;
	[smem:$0x3FD2] =	sst s26  }
0x1e: {  	s5 =	sshll.u32 s27, $0x1;
	_ =	strace $0x80000049;
	[dreg:$0x1] =	wrdreg $0xFFFFFFFF  }
0x1f: {  	s28 =	simm.s32 $_size_execute0_lowered;
	s3 =	sadd.s32 s3, s5;
	[dreg:$0x0] =	wrdreg $0x0  }
0x20: {  	s5 =	sshll.u32 s28, $0x1;
	[dreg:$0x2] =	wrdreg s3  }
0x21: {  	[dreg:$0x3] =	wrdreg s5  }
0x22: {  	[dreg:$0x4] =	wrdreg $0xC0  }
0x23: {  	_ =	task [dreg:s7], $0x5FFFF  }
0x24: {  	[dreg:$0x1] =	wrdreg $0xFFFFFFFF  }
0x25: {  	[dreg:$0x0] =	wrdreg $0x60  }
0x26: {  	[dreg:$0x2] =	wrdreg s25  }
0x27: {  	[dreg:$0x3] =	wrdreg s2  }
0x28: {  	[dreg:$0x4] =	wrdreg $0x9  }
0x29: {  	_ =	task.clear_ibuf [dreg:s7], $0x5FFFF;
	_ =	strace $0x90000049  }
0x2a: {  	s29 =	simm.s32 $0x9;
	_ =	strace $0x8000004B  }
0x2b: {  	_ =	swait.ge [sflag:s29], $0x1  }
0x2c: {  	[sflag:s29] =	ssyncadd.s32 $0xFFFFFFFF  }
0x2d: {  	_ =	strace $0x9000004B  }
0x2e: {  	_ =	sfence  }
0x2f: {  	s30 =	sld [smem:$0x0];
	_ =	sdelay $0x2  }
0x30: {  	s31 =	sshll.u32 s1, $0xD;
	s1 =	sshrl.u32 s1, $0x2  }
0x31: {  	s3 =	sand.u32 $0x4000, s31;
	s1 =	sadd.s32 s1, s30  }
0x32: {  	s0 =	sor.u32 s3, s0;
	s1 =	sshll.u32 s1, $0x11  }
0x33: {  	s0 =	sor.u32 s1, s0  }
0x34: {  	s0 =	sadd.s32 $0x8F2B, s0  }
0x35: {  	[sflag:s0] =	ssyncadd.remote.s32 $0x1  }
0x36: {  	_ =	sfence.sel $0xFFFF  }
0x37: {  	[dreg:$0x0] =	wrdreg $0xFFFFFFFF;
	(pc) =	sbr.abs _section_cstart, $3  }
0x38: {  	[dreg:$0x1] =	wrdreg $0xFFFFFFFF  }
0x39: {  	_ =	task.clear_ibuf [dreg:s7], $0x2FFFF;
	_ =	strace $0x9FFFFFFF  }
0x3a: {  	(tm) =	ssettm $0x7FFFFFFF  }
0x3b: {  	_ =	shalt  }
tec
execute0_lowered:
.L_overlay_start_1:
0x0: {  	(tag) =	ssettag $0x1  }
0x1: {  	s0 =	srdreg.scid  }
0x2: {  	s1 =	sshll.u32 s0, $0x4  }
0x3: {  	s5 =	rddreg [dreg:$0x0];
	s0 =	stileid.u32;
	s1 =	sand.u32 $0x10, s1  }
0x4: {  	s3 =	rddreg [dreg:$0x1];
	s31 =	simm.s32 $0x2;
	s4 =	sor.u32 s0, s1  }
0x5: {  	s13 =	simm.s32 $0x0;
	s9 =	simm.s32 $0x400;
	s2 =	sshll.u32 s4, $0x7  }
0x6: {  	s10 =	simm.s32 $0x8000;
	s14 =	simm.s32 $0x0;
	s6 =	ssub.s32 $0x1000, s2  }
0x7: {  	s1 =	rddreg [dreg:$0x2];
	_ =	strace $0x8000004A;
	s7 =	sand.u32 $0xF80, s6  }
0x8: {  	s4 =	sshll.u32 s4, $0xB;
	p0 =	sne.s32 s7, $0x0;
	s7 =	simm.s32 $0x1  }
.Ltmp0:
0x9: {  	s6 =	sshrl.u32 s6, $0xC;
	s7 =	simm.s32 @!p0 $0x0;
	(pc) =	sbr.rel .LBB1_1-.Ltmp0, $4  }
0xa: {  	s8 =	sadd.s32 s4, s5;
	s4 =	simm.s32 $0x1;
	s30 =	sadd.s32 s7, s6  }
0xb: {  	s11 =	simm.s32 $0x0;
	[sflag:s4] =	ssyncpa.u1 $0x0;
	s5 =	smul.u32 $0x64, s30  }
0xc: {  	s12 =	simm.s32 $0x0;
	[sflag:s31] =	ssyncpa.u1 $0x0;
	p0 =	por $0x0, $0x0  }
0xd: {  	s6 =	sadd.s32 $0xC00, s8;
	s7 =	sadd.s32 $0x10C00, s8;
	s8 =	sor.u32 $0x1, s5  }
.LBB1_7:
0xe: {  	s15 =	sadd.s32 $0x2, s11  }
0xf: {  	p2 =	sgt.s32 s15, $0xC7  }
0x10: {  	s15 =	simm.s32 @p2 $0x0;
	p2 =	sne.s32 s12, s8  }
.Ltmp1:
0x11: {  	p1 =	slt.u32 s12, $0x2;
	(pc) =	sbr.rel @!p2 .LBB1_8-.Ltmp1, $4  }
0x12: {  	s13 =	simm.s32 @!p1 $0x2  }
0x13: {  	s16 =	sadd.s32 $0x1, s12;
	s14 =	smov.u32 s11;
	_ =	swait.ge @!p1 [sflag:s13], $0x4000  }
0x14: {  	p0 =	por !p0, !p0;
	s12 =	smov.u32 s16;
	[sflag:s13] =	ssyncset.done @!p1 $0x0  }
0x15: {  	s11 =	smov.u32 s15;
	[sflag:s13] =	ssyncadd.s32 @!p1 $0xFFFFC000;
	s13 =	smov.u32 s2  }
.LBB1_1:
0x16: {  	p1 =	sge.u32 s12, s5  }
0x17: {  	s15 =	sxor.u32 @!p1 $0xFFFFFFFF, s12  }
0x18: {  	s16 =	sshll.u32 @!p1 s11, $0x10;
	s18 =	simm.s32 @!p1 $0x40;
	s15 =	sshll.u32 @!p1 s15, $0xE  }
0x19: {  	s19 =	simm.s32 @!p1 $0x80;
	s17 =	sadd.s32 @!p1 s16, s6;
	s15 =	sand.u32 @!p1 $0x4000, s15  }
0x1a: {  	[tilespmem:s15], [sflag:$0x1] =	stream.strided.gather @!p1 [hbm4b:s17+s18], $0x2000, s19, s18, $0x38;
	[tilespmem:$0x10100] =	vst v63  }
0x1b: {  	s31 =	sadd.s32 $0xFFFFFFFF, s12;
	s16 =	sadd.s32 @!p1 s16, s7;
	s15 =	sor.u32 @!p1 $0x2000, s15  }
0x1c: {  	[tilespmem:s15], [sflag:$0x1] =	stream.strided.gather @!p1 [hbm4b:s16+s18], $0x2000, s19, s18, $0x38;
	[tilespmem:$0x10100] =	vst v63  }
0x1d: {  	p1 =	sge.u32 s31, s5  }
.Ltmp2:
0x1e: {  	_ = 	snop;
	(pc) =	sbr.rel @p1 .LBB1_7-.Ltmp2, $1  }
0x1f: {  	_ =	sdelay $0x3  }
0x20: {  	s15 =	simm.s32 $0x1;
	s17 =	sand.u32 $0x1, s12  }
0x21: {  	_ =	swait.ge [sflag:s4], $0x4000;
	s15 =	simm.s32 @!p0 $0x0;
	s17 =	smul.u32 $0x10200, s17  }
0x22: {  	p2 =	por $0x1, $0x1;
	[sflag:s4] =	ssyncset.done $0x0;
	s16 =	smul.u32 $0x10200, s15  }
0x23: {  	s18 =	sshll.u32 s15, $0x10;
	[sflag:s4] =	ssyncadd.s32 $0xFFFFC000;
	s30 =	sshrl.u32 s17, $0x2  }
0x24: {  	s31 =	sshrl.u32 s18, $0x2;
	s18 =	simm.s32 $0x0;
	s16 =	sshrl.u32 s16, $0x2  }
0x25: {  	s15 =	sor.u32 $0x8000, s30;
	s17 =	sadd.s32 $0x20, s31;
	s16 =	sor.u32 $0x8000, s16  }
.LBB1_3:
0x26: {  	s19 =	sshll.u32 s18, $0xD  }
0x27: {  	s19 =	sand.u32 $0x3FFFE000, s19  }
0x28: {  	s21 =	sadd.s32 s19, s17  }
0x29: {  	s31 =	smul.u32 $0x8100, s18;
	v3 =	vld [tilespmem:s21+$0x10]  }
0x2a: {  	v1 =	vld [tilespmem:s21+$0xFFFFFFF0]  }
0x2b: {  	s18 =	sshra.s32 s31, $0x2;
	v0 =	vld [tilespmem:s21+$0x0]  }
0x2c: {  	s18 =	sadd.s32 s18, s16;
	v2 =	vld [tilespmem:s21+$0xFFFFFFE0]  }
0x2d: {  	s19 =	sadd.s32 $0x0, s18  }
0x2e: {  	p1 =	por p2, p2;
	s20 =	simm.s32 $0x4;
	s21 =	sadd.s32 $0x40, s21;
	[tilespmem:s19+$0x1830 ss:$0x81] =	vst.msk $0xffff, v3  }
.LBB1_4:
0x2f: {  	v3 =	vld [tilespmem:s21+$0x10];
	p2 =	sne.s32 s20, $0x1FC;
	[tilespmem:s19+$0x810 ss:$0x81] =	vst.msk $0xffff, v1;
	s22 =	smov.u32 s20;
	s20 =	sadd.s32 $0x4, s20  }
.Ltmp3:
0x30: {  	v1 =	vld [tilespmem:s21+$0xFFFFFFF0];
	[tilespmem:s19+$0x1020 ss:$0x81] =	vst.msk $0xffff, v0;
	(pc) =	sbr.rel @p2 .LBB1_4-.Ltmp3, $4  }
0x31: {  	v0 =	vld [tilespmem:s21+$0x0];
	[tilespmem:s19+$0x0 ss:$0x81] =	vst.msk $0xffff, v2  }
0x32: {  	s19 =	sshra.s32 s22, $0x2;
	v2 =	vld [tilespmem:s21+$0xFFFFFFE0]  }
0x33: {  	s19 =	sadd.s32 s19, s18  }
0x34: {  	s21 =	sadd.s32 $0x40, s21;
	[tilespmem:s19+$0x1830 ss:$0x81] =	vst.msk $0xffff, v3  }
.Ltmp4:
0x35: {  	(pc) =	sbr.rel @p1 .LBB1_3-.Ltmp4, $4  }
0x36: {  	_ = 	snop  }
0x37: {  	[tilespmem:s19+$0x810 ss:$0x81] =	vst.msk $0xffff, v1  }
0x38: {  	[tilespmem:s19+$0x1020 ss:$0x81] =	vst.msk $0xffff, v0  }
0x39: {  	s18 =	simm.s32 $0x1;
	p2 =	por $0x0, $0x0;
	[tilespmem:s19+$0x0 ss:$0x81] =	vst.msk $0xffff, v2  }
.Ltmp5:
0x3a: {  	(pc) =	sbr.rel .LBB1_7-.Ltmp5, $4  }
0x3b: {  	s14 =	sshll.u32 s14, $0xF  }
0x3c: {  	s14 =	sadd.s32 s3, s14  }
0x3d: {  	s13 =	sadd.s32 s13, s14  }
0x3e: {  	[hbm4b:s13+s9] =	stream.strided.scatter [tilespmem:s15], [sflag:$0x2], $0x4000, s10, s9, $0x20;
	[tilespmem:$0x10100] =	vst v63  }
.LBB1_8:
0x3f: {  	_ =	sfence.sel $0x180000  }
0x40: {  	s2 =	simm.s32 $0x1;
	[bflag:$0x0] =	sbarrier.arrive $0xFFFF  }
0x41: {  	s31 =	simm.s32 $0x2;
	[sflag:s2] =	ssyncpa.u1 $0x1  }
0x42: {  	[sflag:s31] =	ssyncpa.u1 $0x1  }
0x43: {  	p0 =	sne.s32 s0, $0x0;
	_ =	strace $0x9000004A  }
0x44: {  	s0 =	sadd.s32 @!p0 $0x100000, s1;
	[bflag:$0x2] =	sbarrier.arrive $0xFFFF  }
0x45: {  	[sflag:s0] =	ssyncadd.tile.s32 @!p0 $0x1;
	_ =	shalt  }
.Lfunc_end1:
_tile_overlayer_lowered:
.L_overlay_start_2:
0x46: {  	(tag) =	ssettag $0x2  }
0x47: {  	s0 =	rddreg [dreg:$0x0];
	s2 =	stileid.u32  }
0x48: {  	s1 =	rddreg [dreg:$0x1];
	p0 =	sne.s32 s2, $0x0  }
0x49: {  	s3 =	rddreg [dreg:$0x2];
	[bflag:$0x3] =	sbarrier.arrive $0xFFFF;
	s2 =	simm.s32 @!p0 $0x1C01  }
0x4a: {  	[timem:s3], [sflag:s2] =	dma.local @!p0 [hbm:s0], s1  }
0x4b: {  	s0 =	simm.s32 @!p0 $0x1  }
0x4c: {  	_ =	swait.ge @!p0 [sflag:s0], s1  }
0x4d: {  	s1 =	ssub.s32 @!p0 $0x0, s1;
	[sflag:s0] =	ssyncset.done @!p0 $0x0  }
0x4e: {  	[sflag:s0] =	ssyncadd.s32 @!p0 s1  }
0x4f: {  	[bflag:$0x3] =	sbarrier.arrive $0xFFFF  }
0x50: {  	_ =	shalt  }

</sc_bundles>
